<compile_context>
chip_gen: v7x
topology: tpu7x:2x2x1
jax: 0.10.2.dev20260603
libtpu: 0.0.44.dev20260713+nightly
codegen_flags: <defaults>
</compile_context>

<pallas_src>
import functools

import jax
import jax.numpy as jnp
from jax import lax
from jax.experimental import pallas as pl
from jax.experimental.pallas import tpu as pltpu
from jax.experimental.pallas import tpu_sc as plsc

N = 10000
E = 320000
NFEAT = 128
NHID = 256
NCLASS = 64

NC = 2
NS = 16
LANES = 128

NP = 10112
RPS = NP // NS
EP = 327680
NBLK = EP // LANES

_mesh = plsc.VectorSubcoreMesh(core_axis_name="c", subcore_axis_name="s")


_HBLK = NBLK // (NC * NS)


HW = 16


@functools.partial(
    pl.kernel,
    out_type=jax.ShapeDtypeStruct((2 * NP, HW), jnp.float32),
    mesh=_mesh,
    scratch_types=[
        pltpu.VMEM((_HBLK, LANES), jnp.int32),
        pltpu.VMEM((LANES, HW), jnp.float32),
        pltpu.VMEM_SHARED((NP, HW), jnp.float32),
        pltpu.SemaphoreType.DMA,
    ],
)
def _sc_degree(dst_hbm, out_hbm, idxv, onesv, acc, sem):
    c = lax.axis_index("c")
    s = lax.axis_index("s")
    wid = c * NS + s

    @pl.loop(0, LANES)
    def _(i):
        onesv[i, pl.ds(0, HW)] = jnp.ones((HW,), jnp.float32)

    @pl.loop(0, RPS, step=8)
    def _(r):
        pltpu.sync_copy(onesv.at[pl.ds(0, 8)], acc.at[pl.ds(s * RPS + r, 8)])

    pltpu.sync_copy(dst_hbm.at[pl.ds(wid * _HBLK, _HBLK)], idxv)
    plsc.subcore_barrier()

    @pl.loop(0, _HBLK)
    def _(i):
        pltpu.sync_copy(onesv, acc.at[idxv.at[i]], add=True)

    plsc.subcore_barrier()
    pltpu.sync_copy(
        acc.at[pl.ds(s * RPS, RPS)], out_hbm.at[pl.ds(c * NP + s * RPS, RPS)]
    )


BL = 64
NBLK2 = EP // BL
_CH = 32
_NB = 4


def _make_agg(H, edge_split):
    if edge_split:
        wblk = NBLK2 // (NC * NS)
    else:
        wblk = NBLK2 // NS
    nch = wblk // _CH
    ngrp = _CH // _NB

    @functools.partial(
        pl.kernel,
        out_type=jax.ShapeDtypeStruct((2 * NP, H), jnp.float32),
        mesh=_mesh,
        scratch_types=[
            pltpu.VMEM((_CH, BL), jnp.int32),
            pltpu.VMEM((_CH, BL), jnp.int32),
            pltpu.VMEM((BL, H), jnp.float32),
            pltpu.VMEM((BL, H), jnp.float32),
            pltpu.VMEM((BL, H), jnp.float32),
            pltpu.VMEM((BL, H), jnp.float32),
            pltpu.VMEM_SHARED((NP, H), jnp.float32),
            pltpu.SemaphoreType.DMA,
            pltpu.SemaphoreType.DMA,
            pltpu.SemaphoreType.DMA,
            pltpu.SemaphoreType.DMA,
            pltpu.SemaphoreType.DMA,
            pltpu.SemaphoreType.DMA,
            pltpu.SemaphoreType.DMA,
            pltpu.SemaphoreType.DMA,
        ],
    )
    def agg(g_hbm, src_hbm, dst_hbm, out_hbm,
            sv, dv, rows0, rows1, rows2, rows3, acc,
            sg0, sg1, sg2, sg3, ss0, ss1, ss2, ss3):
        c = lax.axis_index("c")
        s = lax.axis_index("s")
        rows = (rows0, rows1, rows2, rows3)
        sg = (sg0, sg1, sg2, sg3)
        ss = (ss0, ss1, ss2, ss3)

        pltpu.sync_copy(g_hbm.at[pl.ds(s * RPS, RPS)],
                        acc.at[pl.ds(s * RPS, RPS)])
        plsc.subcore_barrier()

        @pl.loop(0, nch)
        def _(ci):
            if edge_split:
                blk0 = (c * NS + s) * wblk + ci * _CH
            else:
                blk0 = s * wblk + ci * _CH
            pltpu.sync_copy(src_hbm.at[pl.ds(blk0, _CH)], sv)
            pltpu.sync_copy(dst_hbm.at[pl.ds(blk0, _CH)], dv)

            @pl.loop(0, ngrp)
            def _(gi):
                @pl.when((ci > 0) | (gi > 0))
                def _():
                    for b in range(_NB):
                        pltpu.make_async_copy(
                            g_hbm.at[pl.ds(0, BL)], rows[b], ss[b]).wait()

                cps = []
                for b in range(_NB):
                    cps.append(pltpu.async_copy(
                        g_hbm.at[sv.at[gi * _NB + b]], rows[b], sg[b]))
                for b in range(_NB):
                    cps[b].wait()
                    pltpu.async_copy(
                        rows[b], acc.at[dv.at[gi * _NB + b]], ss[b], add=True)

        for b in range(_NB):
            pltpu.make_async_copy(g_hbm.at[pl.ds(0, BL)], rows[b], ss[b]).wait()
        plsc.subcore_barrier()
        pltpu.sync_copy(acc.at[pl.ds(s * RPS, RPS)],
                        out_hbm.at[pl.ds(c * NP + s * RPS, RPS)])

    return agg


_agg = _make_agg(128, edge_split=True)


def _tc1_body(h0_ref, h1_ref, x_ref, gx_ref, dinv_ref):
    deg = h0_ref[:, 0:1] + h1_ref[:, 0:1] - 1.0
    dinv = lax.rsqrt(deg)
    gx_ref[...] = x_ref[...] * dinv
    dinv_ref[...] = dinv


def _tc2_body(p0_ref, p1_ref, gx_ref, dinv_ref, b1_ref, w1_ref, w2_ref,
              g2_ref):
    dinv = dinv_ref[...]
    agg = (p0_ref[...] + p1_ref[...] - gx_ref[...]) * dinv
    h1 = jnp.dot(agg, w1_ref[...], precision=lax.Precision.HIGHEST,
                 preferred_element_type=jnp.float32)
    h = jnp.maximum(h1 + b1_ref[...], 0.0)
    h2 = jnp.dot(h, w2_ref[...], precision=lax.Precision.HIGHEST,
                 preferred_element_type=jnp.float32)
    g2 = h2 * dinv
    g2_ref[...] = jnp.concatenate([g2, jnp.zeros_like(g2)], axis=1)


def _tc3_body(p0_ref, p1_ref, g2_ref, dinv_ref, b2_ref, out_ref):
    z = (p0_ref[:, :NCLASS] + p1_ref[:, :NCLASS] - g2_ref[:, :NCLASS])
    z = z * dinv_ref[...] + b2_ref[...]
    m = jnp.max(z, axis=1, keepdims=True)
    e = jnp.exp(z - m)
    lse = jnp.log(jnp.sum(e, axis=1, keepdims=True)) + m
    out_ref[...] = z - lse


_f32 = jnp.float32
_MG = 8
_MB = NP // _MG


def _row_spec(w):
    return pl.BlockSpec((_MB, w), lambda i: (i, 0))


def _full_spec(r, w):
    return pl.BlockSpec((r, w), lambda i: (0, 0))


_tc1 = pl.pallas_call(
    _tc1_body,
    grid=(_MG,),
    in_specs=[_row_spec(HW), _row_spec(HW), _row_spec(NFEAT)],
    out_specs=(_row_spec(NFEAT), _row_spec(1)),
    out_shape=(
        jax.ShapeDtypeStruct((NP, NFEAT), _f32),
        jax.ShapeDtypeStruct((NP, 1), _f32),
    ),
)

_tc2 = pl.pallas_call(
    _tc2_body,
    grid=(_MG,),
    in_specs=[_row_spec(NFEAT), _row_spec(NFEAT), _row_spec(NFEAT),
              _row_spec(1), _full_spec(1, NHID), _full_spec(NFEAT, NHID),
              _full_spec(NHID, NCLASS)],
    out_specs=_row_spec(128),
    out_shape=jax.ShapeDtypeStruct((NP, 128), _f32),
)

_tc3 = pl.pallas_call(
    _tc3_body,
    grid=(_MG,),
    in_specs=[_row_spec(128), _row_spec(128), _row_spec(128), _row_spec(1),
              _full_spec(1, NCLASS)],
    out_specs=_row_spec(NCLASS),
    out_shape=jax.ShapeDtypeStruct((NP, NCLASS), _f32),
)


@jax.jit
def kernel(x, adj, W1, b1, W2, b2):
    src = adj[0]
    dst = adj[1]
    pad = N + jnp.arange(EP - E, dtype=jnp.int32) % (NP - N)
    dst2 = jnp.concatenate([dst, pad]).reshape(NBLK, LANES)
    src2b = jnp.concatenate([src, pad]).reshape(NBLK2, BL)
    dst2b = dst2.reshape(NBLK2, BL)

    xp = jnp.concatenate([x, jnp.zeros((NP - N, NFEAT), _f32)], axis=0)

    hist = _sc_degree(dst2)
    gx, dinv = _tc1(hist[:NP], hist[NP:], xp)
    a1 = _agg(gx, src2b, dst2b)
    g2 = _tc2(a1[:NP], a1[NP:], gx, dinv, b1.reshape(1, NHID), W1, W2)
    a2 = _agg(g2, src2b, dst2b)
    out = _tc3(a2[:NP], a2[NP:], g2, dinv, b2.reshape(1, NCLASS))
    return out[:N]

# --- scband reference (transcript-rebuilt; emitter-appended) ---
"""Pipeline reference for scband-gcn-10849087390555 (READ-ONLY COPY).

The authoritative reference and input builder live on the scoring server;
editing this copy changes nothing except your own understanding.
"""

import jax, jax.numpy as jnp
import numpy as np

N = 10000
E = 320000
NFEAT = 128
NHID = 256
NCLASS = 64


def setup_inputs(seed: int = 0) -> dict:
    key = jax.random.key(seed)
    ks = jax.random.split(key, 6)
    x = jax.random.normal(ks[0], (N, NFEAT), dtype=jnp.float32)
    adj = jax.random.randint(ks[1], (2, E), 0, N, dtype=jnp.int32)
    W1 = jax.random.normal(ks[2], (NFEAT, NHID), dtype=jnp.float32) * (1.0 / np.sqrt(NFEAT))
    b1 = jnp.zeros((NHID,), dtype=jnp.float32)
    W2 = jax.random.normal(ks[3], (NHID, NCLASS), dtype=jnp.float32) * (1.0 / np.sqrt(NHID))
    b2 = jnp.zeros((NCLASS,), dtype=jnp.float32)
    return {"x": x, "adj": adj, "W1": W1, "b1": b1, "W2": W2, "b2": b2}


def _gcn_conv(x, edge_index, W, b):
    # PyG GCNConv with gcn_norm: add self loops, symmetric normalization
    src = edge_index[0]
    dst = edge_index[1]
    loop = jnp.arange(N, dtype=src.dtype)
    src = jnp.concatenate([src, loop])
    dst = jnp.concatenate([dst, loop])
    deg = jnp.zeros((N,), dtype=x.dtype).at[dst].add(1.0)
    dinv = jnp.where(deg > 0, 1.0 / jnp.sqrt(deg), 0.0)
    norm = dinv[src] * dinv[dst]
    h = x @ W
    out = jnp.zeros((N, W.shape[1]), dtype=x.dtype).at[dst].add(h[src] * norm[:, None])
    return out + b


def reference(x, adj, W1, b1, W2, b2):
    # eval mode: dropout is identity
    h = _gcn_conv(x, adj, W1, b1)
    h = jax.nn.relu(h)
    h = _gcn_conv(h, adj, W2, b2)
    return jax.nn.log_softmax(h, axis=1)

if __name__ == "__main__":
    import jax
    _d = setup_inputs()
    print(jax.jit(kernel)(*tuple(_d.values())))

</pallas_src>

<mosaic_0001>
#map = affine_map<(d0, d1) -> (0, 0)>
module attributes {stable_mosaic.version = 14 : i64} {
  func.func @_sc_degree(%arg0: i32, %arg1: i32, %arg2: memref<2560x128xi32, #tpu.memory_space<hbm>>, %arg3: memref<20224x16xf32, #tpu.memory_space<hbm>>, %arg4: memref<80x128xi32, #tpu.memory_space<vmem>>, %arg5: memref<128x16xf32, #tpu.memory_space<vmem>>, %arg6: memref<10112x16xf32, #tpu.memory_space<vmem_shared>>, %arg7: memref<!tpu.dma_semaphore, #tpu.memory_space<semaphore_mem>>) attributes {dimension_semantics = [#tpu.dimension_semantics<core_parallel>, #tpu.dimension_semantics<subcore_parallel>], iteration_bounds = array<i64: 2, 16>, scalar_prefetch = 0 : i64, scratch_operands = 4 : i64, tpu.core_type = #tpu.core_type<sc_vector_subcore>, window_params = [{transform_indices = #map}, {transform_indices = #map}]} {
    %mul3A = arith.constant 16 : i32
    %mul3A_0 = arith.muli %arg0, %mul3A : i32
    %add3A = arith.addi %mul3A_0, %arg1 : i32
    %scan3A = arith.constant 0 : i32
    %scan3A_1 = arith.constant 128 : i32
    %scan3A_2 = arith.addi %scan3A, %scan3A_1 : i32
    %scan3A_3 = arith.constant 1 : i32
    scf.for %scan3A_25 = %scan3A to %scan3A_2 step %scan3A_3  : i32 {
      %mul3A_26 = arith.constant 1 : i32
      %mul3A_27 = arith.muli %scan3A_25, %mul3A_26 : i32
      %add3A_28 = arith.constant 0 : i32
      %add3A_29 = arith.addi %add3A_28, %mul3A_27 : i32
      %broadcast_in_dim3A = arith.constant 1.000000e+00 : f32
      %broadcast_in_dim3A_30 = vector.broadcast %broadcast_in_dim3A : f32 to vector<16xf32>
      %swap3A = arith.index_cast %add3A_29 : i32 to index
      %swap3A_31 = arith.constant 0 : index
      %swap3A_32 = tpu.vector_load %arg5[%swap3A, %swap3A_31] {strides = array<i32>} : memref<128x16xf32, #tpu.memory_space<vmem>>, vector<1x16xf32>,
      %swap3A_33 = vector.shape_cast %swap3A_32 : vector<1x16xf32> to vector<16xf32>
      %swap3A_34 = vector.shape_cast %broadcast_in_dim3A_30 : vector<16xf32> to vector<1x16xf32>
      tpu.vector_store %arg5[%swap3A, %swap3A_31], %swap3A_34 {strides = array<i32>} : memref<128x16xf32, #tpu.memory_space<vmem>>, vector<1x16xf32>,
    }
    %scan3A_4 = arith.constant 128 : i32
    %scan3A_5 = arith.constant 0 : i32
    %scan3A_6 = arith.constant 79 : i32
    %scan3A_7 = arith.addi %scan3A_5, %scan3A_6 : i32
    %scan3A_8 = arith.constant 1 : i32
    scf.for %scan3A_25 = %scan3A_5 to %scan3A_7 step %scan3A_8  : i32 {
      %mul3A_26 = arith.constant 8 : i32
      %mul3A_27 = arith.muli %scan3A_25, %mul3A_26 : i32
      %add3A_28 = arith.constant 0 : i32
      %add3A_29 = arith.addi %add3A_28, %mul3A_27 : i32
      %mul3A_30 = arith.constant 632 : i32
      %mul3A_31 = arith.muli %arg1, %mul3A_30 : i32
      %add3A_32 = arith.addi %mul3A_31, %add3A_29 : i32
      "tpu.region"() ({
        %run_scoped3A = tpu.sem_alloc : memref<!tpu.dma_semaphore, #tpu.memory_space<semaphore_mem>>
        %dma_start3A = arith.constant 0 : i32
        %dma_start3A_33 = arith.constant 0 : i32
        %dma_start3A_34 = tpu.memref_slice %arg5[%dma_start3A, %dma_start3A_33] : memref<128x16xf32, #tpu.memory_space<vmem>> -> memref<8x16xf32, #tpu.memory_space<vmem>>
        %dma_start3A_35 = arith.constant 0 : i32
        %dma_start3A_36 = tpu.memref_slice %arg6[%add3A_32, %dma_start3A_35] : memref<10112x16xf32, #tpu.memory_space<vmem_shared>> -> memref<8x16xf32, #tpu.memory_space<vmem_shared>>
        %dma_start3A_37 = arith.constant 0 : i32
        %dma_start3A_38 = tpu.memref_slice %arg6[%add3A_32, %dma_start3A_37] : memref<10112x16xf32, #tpu.memory_space<vmem_shared>> -> memref<8x16xf32, #tpu.memory_space<vmem_shared>>
        %dma_start3A_39 = arith.constant 0 : i32
        %dma_start3A_40 = arith.constant 0 : i32
        %dma_start3A_41 = tpu.memref_slice %arg5[%dma_start3A_39, %dma_start3A_40] : memref<128x16xf32, #tpu.memory_space<vmem>> -> memref<8x16xf32, #tpu.memory_space<vmem>>
        tpu.enqueue_dma source(%dma_start3A_41 : memref<8x16xf32, #tpu.memory_space<vmem>>) target(%dma_start3A_38 : memref<8x16xf32, #tpu.memory_space<vmem_shared>>) target_semaphore(%run_scoped3A : memref<!tpu.dma_semaphore, #tpu.memory_space<semaphore_mem>>)
        %dma_wait3A = arith.constant 0 : i32
        %dma_wait3A_42 = arith.constant 0 : i32
        %dma_wait3A_43 = tpu.memref_slice %arg5[%dma_wait3A, %dma_wait3A_42] : memref<128x16xf32, #tpu.memory_space<vmem>> -> memref<8x16xf32, #tpu.memory_space<vmem>>
        %dma_wait3A_44 = arith.constant 0 : i32
        %dma_wait3A_45 = tpu.memref_slice %arg6[%add3A_32, %dma_wait3A_44] : memref<10112x16xf32, #tpu.memory_space<vmem_shared>> -> memref<8x16xf32, #tpu.memory_space<vmem_shared>>
        %dma_wait3A_46 = arith.constant 0 : i32
        %dma_wait3A_47 = tpu.memref_slice %arg6[%add3A_32, %dma_wait3A_46] : memref<10112x16xf32, #tpu.memory_space<vmem_shared>> -> memref<8x16xf32, #tpu.memory_space<vmem_shared>>
        %dma_wait3A_48 = arith.constant 0 : i32
        %dma_wait3A_49 = arith.constant 0 : i32
        %dma_wait3A_50 = tpu.memref_slice %arg5[%dma_wait3A_48, %dma_wait3A_49] : memref<128x16xf32, #tpu.memory_space<vmem>> -> memref<8x16xf32, #tpu.memory_space<vmem>>
        tpu.wait_dma2 semaphore(%run_scoped3A : memref<!tpu.dma_semaphore, #tpu.memory_space<semaphore_mem>>) src(%dma_wait3A_50 : memref<8x16xf32, #tpu.memory_space<vmem>>) dst(%dma_wait3A_47 : memref<8x16xf32, #tpu.memory_space<vmem_shared>>)
        tpu.yield
      }) : () -> ()
    }
    %scan3A_9 = arith.constant 79 : i32
    %mul3A_10 = arith.constant 80 : i32
    %mul3A_11 = arith.muli %add3A, %mul3A_10 : i32
    "tpu.region"() ({
      %run_scoped3A = tpu.sem_alloc : memref<!tpu.dma_semaphore, #tpu.memory_space<semaphore_mem>>
      %dma_start3A = arith.constant 0 : i32
      %dma_start3A_25 = tpu.memref_slice %arg2[%mul3A_11, %dma_start3A] : memref<2560x128xi32, #tpu.memory_space<hbm>> -> memref<80x128xi32, #tpu.memory_space<hbm>>
      %dma_start3A_26 = arith.constant 0 : i32
      %dma_start3A_27 = tpu.memref_slice %arg2[%mul3A_11, %dma_start3A_26] : memref<2560x128xi32, #tpu.memory_space<hbm>> -> memref<80x128xi32, #tpu.memory_space<hbm>>
      tpu.enqueue_dma source(%dma_start3A_27 : memref<80x128xi32, #tpu.memory_space<hbm>>) target(%arg4 : memref<80x128xi32, #tpu.memory_space<vmem>>) target_semaphore(%run_scoped3A : memref<!tpu.dma_semaphore, #tpu.memory_space<semaphore_mem>>)
      %dma_wait3A = arith.constant 0 : i32
      %dma_wait3A_28 = tpu.memref_slice %arg2[%mul3A_11, %dma_wait3A] : memref<2560x128xi32, #tpu.memory_space<hbm>> -> memref<80x128xi32, #tpu.memory_space<hbm>>
      %dma_wait3A_29 = arith.constant 0 : i32
      %dma_wait3A_30 = tpu.memref_slice %arg2[%mul3A_11, %dma_wait3A_29] : memref<2560x128xi32, #tpu.memory_space<hbm>> -> memref<80x128xi32, #tpu.memory_space<hbm>>
      tpu.wait_dma2 semaphore(%run_scoped3A : memref<!tpu.dma_semaphore, #tpu.memory_space<semaphore_mem>>) src(%dma_wait3A_30 : memref<80x128xi32, #tpu.memory_space<hbm>>) dst(%arg4 : memref<80x128xi32, #tpu.memory_space<vmem>>)
      tpu.yield
    }) : () -> ()
    %barrier3A = arith.constant 0 : index
    tpu.barrier barrier_id(%barrier3A)
    %scan3A_12 = arith.constant 0 : i32
    %scan3A_13 = arith.constant 80 : i32
    %scan3A_14 = arith.addi %scan3A_12, %scan3A_13 : i32
    %scan3A_15 = arith.constant 1 : i32
    scf.for %scan3A_25 = %scan3A_12 to %scan3A_14 step %scan3A_15  : i32 {
      %mul3A_26 = arith.constant 1 : i32
      %mul3A_27 = arith.muli %scan3A_25, %mul3A_26 : i32
      %add3A_28 = arith.constant 0 : i32
      %add3A_29 = arith.addi %add3A_28, %mul3A_27 : i32
      "tpu.region"() ({
        %run_scoped3A = tpu.sem_alloc : memref<!tpu.dma_semaphore, #tpu.memory_space<semaphore_mem>>
        %dma_start3A = arith.constant 0 : i32
        %dma_start3A_30 = tpu.memref_slice %arg4[%add3A_29, %dma_start3A] : memref<80x128xi32, #tpu.memory_space<vmem>> -> memref<1x128xi32, #tpu.memory_space<vmem>>
        %dma_start3A_31 = tpu.memref_squeeze %dma_start3A_30 : memref<1x128xi32, #tpu.memory_space<vmem>> -> memref<128xi32, #tpu.memory_space<vmem>>
        %dma_start3A_32 = arith.constant 0 : i32
        %dma_start3A_33 = arith.constant 0 : i32
        %dma_start3A_34 = tpu.memref_slice %arg6[%dma_start3A_32, %dma_start3A_33] : memref<10112x16xf32, #tpu.memory_space<vmem_shared>> -> memref<10112x16xf32, #tpu.memory_space<vmem_shared>>
        tpu.enqueue_indirect_dma source(%arg5 : memref<128x16xf32, #tpu.memory_space<vmem>>) target(%dma_start3A_34 : memref<10112x16xf32, #tpu.memory_space<vmem_shared>>) offsets(%dma_start3A_31 : memref<128xi32, #tpu.memory_space<vmem>>) semaphore(%run_scoped3A : memref<!tpu.dma_semaphore, #tpu.memory_space<semaphore_mem>>) {add = true}
        %dma_wait3A = arith.constant 0 : i32
        %dma_wait3A_35 = tpu.memref_slice %arg4[%add3A_29, %dma_wait3A] : memref<80x128xi32, #tpu.memory_space<vmem>> -> memref<1x128xi32, #tpu.memory_space<vmem>>
        %dma_wait3A_36 = tpu.memref_squeeze %dma_wait3A_35 : memref<1x128xi32, #tpu.memory_space<vmem>> -> memref<128xi32, #tpu.memory_space<vmem>>
        %dma_wait3A_37 = arith.constant 0 : i32
        %dma_wait3A_38 = arith.constant 0 : i32
        %dma_wait3A_39 = tpu.memref_slice %arg6[%dma_wait3A_37, %dma_wait3A_38] : memref<10112x16xf32, #tpu.memory_space<vmem_shared>> -> memref<10112x16xf32, #tpu.memory_space<vmem_shared>>
        tpu.wait_indirect_dma semaphore(%run_scoped3A : memref<!tpu.dma_semaphore, #tpu.memory_space<semaphore_mem>>) src(%arg5 : memref<128x16xf32, #tpu.memory_space<vmem>>) dst(%dma_wait3A_39 : memref<10112x16xf32, #tpu.memory_space<vmem_shared>>)
        tpu.yield
      }) : () -> ()
    }
    %scan3A_16 = arith.constant 80 : i32
    %barrier3A_17 = arith.constant 0 : index
    tpu.barrier barrier_id(%barrier3A_17)
    %mul3A_18 = arith.constant 632 : i32
    %mul3A_19 = arith.muli %arg1, %mul3A_18 : i32
    %mul3A_20 = arith.constant 10112 : i32
    %mul3A_21 = arith.muli %arg0, %mul3A_20 : i32
    %mul3A_22 = arith.constant 632 : i32
    %mul3A_23 = arith.muli %arg1, %mul3A_22 : i32
    %add3A_24 = arith.addi %mul3A_21, %mul3A_23 : i32
    "tpu.region"() ({
      %run_scoped3A = tpu.sem_alloc : memref<!tpu.dma_semaphore, #tpu.memory_space<semaphore_mem>>
      %dma_start3A = arith.constant 0 : i32
      %dma_start3A_25 = tpu.memref_slice %arg3[%add3A_24, %dma_start3A] : memref<20224x16xf32, #tpu.memory_space<hbm>> -> memref<632x16xf32, #tpu.memory_space<hbm>>
      %dma_start3A_26 = arith.constant 0 : i32
      %dma_start3A_27 = tpu.memref_slice %arg6[%mul3A_19, %dma_start3A_26] : memref<10112x16xf32, #tpu.memory_space<vmem_shared>> -> memref<632x16xf32, #tpu.memory_space<vmem_shared>>
      tpu.enqueue_dma source(%dma_start3A_27 : memref<632x16xf32, #tpu.memory_space<vmem_shared>>) target(%dma_start3A_25 : memref<632x16xf32, #tpu.memory_space<hbm>>) target_semaphore(%run_scoped3A : memref<!tpu.dma_semaphore, #tpu.memory_space<semaphore_mem>>)
      %dma_wait3A = arith.constant 0 : i32
      %dma_wait3A_28 = tpu.memref_slice %arg3[%add3A_24, %dma_wait3A] : memref<20224x16xf32, #tpu.memory_space<hbm>> -> memref<632x16xf32, #tpu.memory_space<hbm>>
      %dma_wait3A_29 = arith.constant 0 : i32
      %dma_wait3A_30 = tpu.memref_slice %arg6[%mul3A_19, %dma_wait3A_29] : memref<10112x16xf32, #tpu.memory_space<vmem_shared>> -> memref<632x16xf32, #tpu.memory_space<vmem_shared>>
      tpu.wait_dma2 semaphore(%run_scoped3A : memref<!tpu.dma_semaphore, #tpu.memory_space<semaphore_mem>>) src(%dma_wait3A_30 : memref<632x16xf32, #tpu.memory_space<vmem_shared>>) dst(%dma_wait3A_28 : memref<632x16xf32, #tpu.memory_space<hbm>>)
      tpu.yield
    }) : () -> ()
    return
  }
}

#map = affine_map<(d0, d1) -> (0, 0)>
module attributes {stable_mosaic.version = 14 : i64} {
  func.func @agg(%arg0: i32, %arg1: i32, %arg2: memref<10112x128xf32, #tpu.memory_space<hbm>>, %arg3: memref<5120x64xi32, #tpu.memory_space<hbm>>, %arg4: memref<5120x64xi32, #tpu.memory_space<hbm>>, %arg5: memref<20224x128xf32, #tpu.memory_space<hbm>>, %arg6: memref<32x64xi32, #tpu.memory_space<vmem>>, %arg7: memref<32x64xi32, #tpu.memory_space<vmem>>, %arg8: memref<64x128xf32, #tpu.memory_space<vmem>>, %arg9: memref<64x128xf32, #tpu.memory_space<vmem>>, %arg10: memref<64x128xf32, #tpu.memory_space<vmem>>, %arg11: memref<64x128xf32, #tpu.memory_space<vmem>>, %arg12: memref<10112x128xf32, #tpu.memory_space<vmem_shared>>, %arg13: memref<!tpu.dma_semaphore, #tpu.memory_space<semaphore_mem>>, %arg14: memref<!tpu.dma_semaphore, #tpu.memory_space<semaphore_mem>>, %arg15: memref<!tpu.dma_semaphore, #tpu.memory_space<semaphore_mem>>, %arg16: memref<!tpu.dma_semaphore, #tpu.memory_space<semaphore_mem>>, %arg17: memref<!tpu.dma_semaphore, #tpu.memory_space<semaphore_mem>>, %arg18: memref<!tpu.dma_semaphore, #tpu.memory_space<semaphore_mem>>, %arg19: memref<!tpu.dma_semaphore, #tpu.memory_space<semaphore_mem>>, %arg20: memref<!tpu.dma_semaphore, #tpu.memory_space<semaphore_mem>>) attributes {dimension_semantics = [#tpu.dimension_semantics<core_parallel>, #tpu.dimension_semantics<subcore_parallel>], iteration_bounds = array<i64: 2, 16>, scalar_prefetch = 0 : i64, scratch_operands = 15 : i64, tpu.core_type = #tpu.core_type<sc_vector_subcore>, window_params = [{transform_indices = #map}, {transform_indices = #map}, {transform_indices = #map}, {transform_indices = #map}]} {
    %mul3A = arith.constant 632 : i32
    %mul3A_0 = arith.muli %arg1, %mul3A : i32
    %mul3A_1 = arith.constant 632 : i32
    %mul3A_2 = arith.muli %arg1, %mul3A_1 : i32
    "tpu.region"() ({
      %run_scoped3A = tpu.sem_alloc : memref<!tpu.dma_semaphore, #tpu.memory_space<semaphore_mem>>
      %dma_start3A = arith.constant 0 : i32
      %dma_start3A_37 = tpu.memref_slice %arg12[%mul3A_2, %dma_start3A] : memref<10112x128xf32, #tpu.memory_space<vmem_shared>> -> memref<632x128xf32, #tpu.memory_space<vmem_shared>>
      %dma_start3A_38 = arith.constant 0 : i32
      %dma_start3A_39 = tpu.memref_slice %arg2[%mul3A_0, %dma_start3A_38] : memref<10112x128xf32, #tpu.memory_space<hbm>> -> memref<632x128xf32, #tpu.memory_space<hbm>>
      tpu.enqueue_dma source(%dma_start3A_39 : memref<632x128xf32, #tpu.memory_space<hbm>>) target(%dma_start3A_37 : memref<632x128xf32, #tpu.memory_space<vmem_shared>>) target_semaphore(%run_scoped3A : memref<!tpu.dma_semaphore, #tpu.memory_space<semaphore_mem>>)
      %dma_wait3A_40 = arith.constant 0 : i32
      %dma_wait3A_41 = tpu.memref_slice %arg12[%mul3A_2, %dma_wait3A_40] : memref<10112x128xf32, #tpu.memory_space<vmem_shared>> -> memref<632x128xf32, #tpu.memory_space<vmem_shared>>
      %dma_wait3A_42 = arith.constant 0 : i32
      %dma_wait3A_43 = tpu.memref_slice %arg2[%mul3A_0, %dma_wait3A_42] : memref<10112x128xf32, #tpu.memory_space<hbm>> -> memref<632x128xf32, #tpu.memory_space<hbm>>
      tpu.wait_dma2 semaphore(%run_scoped3A : memref<!tpu.dma_semaphore, #tpu.memory_space<semaphore_mem>>) src(%dma_wait3A_43 : memref<632x128xf32, #tpu.memory_space<hbm>>) dst(%dma_wait3A_41 : memref<632x128xf32, #tpu.memory_space<vmem_shared>>)
      tpu.yield
    }) : () -> ()
    %barrier3A = arith.constant 0 : index
    tpu.barrier barrier_id(%barrier3A)
    %scan3A = arith.constant 0 : i32
    %scan3A_3 = arith.constant 5 : i32
    %scan3A_4 = arith.addi %scan3A, %scan3A_3 : i32
    %scan3A_5 = arith.constant 1 : i32
    scf.for %scan3A_37 = %scan3A to %scan3A_4 step %scan3A_5  : i32 {
      %mul3A_38 = arith.constant 1 : i32
      %mul3A_39 = arith.muli %scan3A_37, %mul3A_38 : i32
      %add3A_40 = arith.constant 0 : i32
      %add3A_41 = arith.addi %add3A_40, %mul3A_39 : i32
      %mul3A_42 = arith.constant 16 : i32
      %mul3A_43 = arith.muli %arg0, %mul3A_42 : i32
      %add3A_44 = arith.addi %mul3A_43, %arg1 : i32
      %mul3A_45 = arith.constant 160 : i32
      %mul3A_46 = arith.muli %add3A_44, %mul3A_45 : i32
      %mul3A_47 = arith.constant 32 : i32
      %mul3A_48 = arith.muli %add3A_41, %mul3A_47 : i32
      %add3A_49 = arith.addi %mul3A_46, %mul3A_48 : i32
      "tpu.region"() ({
        %run_scoped3A = tpu.sem_alloc : memref<!tpu.dma_semaphore, #tpu.memory_space<semaphore_mem>>
        %dma_start3A = arith.constant 0 : i32
        %dma_start3A_55 = tpu.memref_slice %arg3[%add3A_49, %dma_start3A] : memref<5120x64xi32, #tpu.memory_space<hbm>> -> memref<32x64xi32, #tpu.memory_space<hbm>>
        %dma_start3A_56 = arith.constant 0 : i32
        %dma_start3A_57 = tpu.memref_slice %arg3[%add3A_49, %dma_start3A_56] : memref<5120x64xi32, #tpu.memory_space<hbm>> -> memref<32x64xi32, #tpu.memory_space<hbm>>
        tpu.enqueue_dma source(%dma_start3A_57 : memref<32x64xi32, #tpu.memory_space<hbm>>) target(%arg6 : memref<32x64xi32, #tpu.memory_space<vmem>>) target_semaphore(%run_scoped3A : memref<!tpu.dma_semaphore, #tpu.memory_space<semaphore_mem>>)
        %dma_wait3A_58 = arith.constant 0 : i32
        %dma_wait3A_59 = tpu.memref_slice %arg3[%add3A_49, %dma_wait3A_58] : memref<5120x64xi32, #tpu.memory_space<hbm>> -> memref<32x64xi32, #tpu.memory_space<hbm>>
        %dma_wait3A_60 = arith.constant 0 : i32
        %dma_wait3A_61 = tpu.memref_slice %arg3[%add3A_49, %dma_wait3A_60] : memref<5120x64xi32, #tpu.memory_space<hbm>> -> memref<32x64xi32, #tpu.memory_space<hbm>>
        tpu.wait_dma2 semaphore(%run_scoped3A : memref<!tpu.dma_semaphore, #tpu.memory_space<semaphore_mem>>) src(%dma_wait3A_61 : memref<32x64xi32, #tpu.memory_space<hbm>>) dst(%arg6 : memref<32x64xi32, #tpu.memory_space<vmem>>)
        tpu.yield
      }) : () -> ()
      "tpu.region"() ({
        %run_scoped3A = tpu.sem_alloc : memref<!tpu.dma_semaphore, #tpu.memory_space<semaphore_mem>>
        %dma_start3A = arith.constant 0 : i32
        %dma_start3A_55 = tpu.memref_slice %arg4[%add3A_49, %dma_start3A] : memref<5120x64xi32, #tpu.memory_space<hbm>> -> memref<32x64xi32, #tpu.memory_space<hbm>>
        %dma_start3A_56 = arith.constant 0 : i32
        %dma_start3A_57 = tpu.memref_slice %arg4[%add3A_49, %dma_start3A_56] : memref<5120x64xi32, #tpu.memory_space<hbm>> -> memref<32x64xi32, #tpu.memory_space<hbm>>
        tpu.enqueue_dma source(%dma_start3A_57 : memref<32x64xi32, #tpu.memory_space<hbm>>) target(%arg7 : memref<32x64xi32, #tpu.memory_space<vmem>>) target_semaphore(%run_scoped3A : memref<!tpu.dma_semaphore, #tpu.memory_space<semaphore_mem>>)
        %dma_wait3A_58 = arith.constant 0 : i32
        %dma_wait3A_59 = tpu.memref_slice %arg4[%add3A_49, %dma_wait3A_58] : memref<5120x64xi32, #tpu.memory_space<hbm>> -> memref<32x64xi32, #tpu.memory_space<hbm>>
        %dma_wait3A_60 = arith.constant 0 : i32
        %dma_wait3A_61 = tpu.memref_slice %arg4[%add3A_49, %dma_wait3A_60] : memref<5120x64xi32, #tpu.memory_space<hbm>> -> memref<32x64xi32, #tpu.memory_space<hbm>>
        tpu.wait_dma2 semaphore(%run_scoped3A : memref<!tpu.dma_semaphore, #tpu.memory_space<semaphore_mem>>) src(%dma_wait3A_61 : memref<32x64xi32, #tpu.memory_space<hbm>>) dst(%arg7 : memref<32x64xi32, #tpu.memory_space<vmem>>)
        tpu.yield
      }) : () -> ()
      %scan3A_50 = arith.constant 0 : i32
      %scan3A_51 = arith.constant 8 : i32
      %scan3A_52 = arith.addi %scan3A_50, %scan3A_51 : i32
      %scan3A_53 = arith.constant 1 : i32
      scf.for %scan3A_55 = %scan3A_50 to %scan3A_52 step %scan3A_53  : i32 {
        %mul3A_56 = arith.constant 1 : i32
        %mul3A_57 = arith.muli %scan3A_55, %mul3A_56 : i32
        %add3A_58 = arith.constant 0 : i32
        %add3A_59 = arith.addi %add3A_58, %mul3A_57 : i32
        %gt3A = arith.constant 0 : i32
        %gt3A_60 = arith.cmpi sgt, %add3A_41, %gt3A : i32
        %gt3A_61 = arith.constant 0 : i32
        %gt3A_62 = arith.cmpi sgt, %add3A_59, %gt3A_61 : i32
        %or3A = arith.ori %gt3A_60, %gt3A_62 : i1
        %convert_element_type3A = arith.extui %or3A : i1 to i32
        %cond3A = arith.constant 0 : i32
        %cond3A_63 = arith.cmpi ne, %convert_element_type3A, %cond3A : i32
        scf.if %cond3A_63 {
          %dma_wait3A_167 = arith.constant 0 : i32
          %dma_wait3A_168 = arith.constant 0 : i32
          %dma_wait3A_169 = tpu.memref_slice %arg2[%dma_wait3A_167, %dma_wait3A_168] : memref<10112x128xf32, #tpu.memory_space<hbm>> -> memref<64x128xf32, #tpu.memory_space<hbm>>
          %dma_wait3A_170 = arith.constant 0 : i32
          %dma_wait3A_171 = arith.constant 0 : i32
          %dma_wait3A_172 = tpu.memref_slice %arg2[%dma_wait3A_170, %dma_wait3A_171] : memref<10112x128xf32, #tpu.memory_space<hbm>> -> memref<64x128xf32, #tpu.memory_space<hbm>>
          tpu.wait_dma2 semaphore(%arg17 : memref<!tpu.dma_semaphore, #tpu.memory_space<semaphore_mem>>) src(%dma_wait3A_172 : memref<64x128xf32, #tpu.memory_space<hbm>>) dst(%arg8 : memref<64x128xf32, #tpu.memory_space<vmem>>)
          %dma_wait3A_173 = arith.constant 0 : i32
          %dma_wait3A_174 = arith.constant 0 : i32
          %dma_wait3A_175 = tpu.memref_slice %arg2[%dma_wait3A_173, %dma_wait3A_174] : memref<10112x128xf32, #tpu.memory_space<hbm>> -> memref<64x128xf32, #tpu.memory_space<hbm>>
          %dma_wait3A_176 = arith.constant 0 : i32
          %dma_wait3A_177 = arith.constant 0 : i32
          %dma_wait3A_178 = tpu.memref_slice %arg2[%dma_wait3A_176, %dma_wait3A_177] : memref<10112x128xf32, #tpu.memory_space<hbm>> -> memref<64x128xf32, #tpu.memory_space<hbm>>
          tpu.wait_dma2 semaphore(%arg18 : memref<!tpu.dma_semaphore, #tpu.memory_space<semaphore_mem>>) src(%dma_wait3A_178 : memref<64x128xf32, #tpu.memory_space<hbm>>) dst(%arg9 : memref<64x128xf32, #tpu.memory_space<vmem>>)
          %dma_wait3A_179 = arith.constant 0 : i32
          %dma_wait3A_180 = arith.constant 0 : i32
          %dma_wait3A_181 = tpu.memref_slice %arg2[%dma_wait3A_179, %dma_wait3A_180] : memref<10112x128xf32, #tpu.memory_space<hbm>> -> memref<64x128xf32, #tpu.memory_space<hbm>>
          %dma_wait3A_182 = arith.constant 0 : i32
          %dma_wait3A_183 = arith.constant 0 : i32
          %dma_wait3A_184 = tpu.memref_slice %arg2[%dma_wait3A_182, %dma_wait3A_183] : memref<10112x128xf32, #tpu.memory_space<hbm>> -> memref<64x128xf32, #tpu.memory_space<hbm>>
          tpu.wait_dma2 semaphore(%arg19 : memref<!tpu.dma_semaphore, #tpu.memory_space<semaphore_mem>>) src(%dma_wait3A_184 : memref<64x128xf32, #tpu.memory_space<hbm>>) dst(%arg10 : memref<64x128xf32, #tpu.memory_space<vmem>>)
          %dma_wait3A_185 = arith.constant 0 : i32
          %dma_wait3A_186 = arith.constant 0 : i32
          %dma_wait3A_187 = tpu.memref_slice %arg2[%dma_wait3A_185, %dma_wait3A_186] : memref<10112x128xf32, #tpu.memory_space<hbm>> -> memref<64x128xf32, #tpu.memory_space<hbm>>
          %dma_wait3A_188 = arith.constant 0 : i32
          %dma_wait3A_189 = arith.constant 0 : i32
          %dma_wait3A_190 = tpu.memref_slice %arg2[%dma_wait3A_188, %dma_wait3A_189] : memref<10112x128xf32, #tpu.memory_space<hbm>> -> memref<64x128xf32, #tpu.memory_space<hbm>>
          tpu.wait_dma2 semaphore(%arg20 : memref<!tpu.dma_semaphore, #tpu.memory_space<semaphore_mem>>) src(%dma_wait3A_190 : memref<64x128xf32, #tpu.memory_space<hbm>>) dst(%arg11 : memref<64x128xf32, #tpu.memory_space<vmem>>)
        } else {
        }
        %mul3A_64 = arith.constant 4 : i32
        %mul3A_65 = arith.muli %add3A_59, %mul3A_64 : i32
        %add3A_66 = arith.constant 0 : i32
        %add3A_67 = arith.addi %mul3A_65, %add3A_66 : i32
        %dma_start3A = arith.constant 0 : i32
        %dma_start3A_68 = tpu.memref_slice %arg6[%add3A_67, %dma_start3A] : memref<32x64xi32, #tpu.memory_space<vmem>> -> memref<1x64xi32, #tpu.memory_space<vmem>>
        %dma_start3A_69 = tpu.memref_squeeze %dma_start3A_68 : memref<1x64xi32, #tpu.memory_space<vmem>> -> memref<64xi32, #tpu.memory_space<vmem>>
        %dma_start3A_70 = arith.constant 0 : i32
        %dma_start3A_71 = arith.constant 0 : i32
        %dma_start3A_72 = tpu.memref_slice %arg2[%dma_start3A_70, %dma_start3A_71] : memref<10112x128xf32, #tpu.memory_space<hbm>> -> memref<10112x128xf32, #tpu.memory_space<hbm>>
        tpu.enqueue_indirect_dma source(%dma_start3A_72 : memref<10112x128xf32, #tpu.memory_space<hbm>>) target(%arg8 : memref<64x128xf32, #tpu.memory_space<vmem>>) offsets(%dma_start3A_69 : memref<64xi32, #tpu.memory_space<vmem>>) semaphore(%arg13 : memref<!tpu.dma_semaphore, #tpu.memory_space<semaphore_mem>>)
        %mul3A_73 = arith.constant 4 : i32
        %mul3A_74 = arith.muli %add3A_59, %mul3A_73 : i32
        %add3A_75 = arith.constant 1 : i32
        %add3A_76 = arith.addi %mul3A_74, %add3A_75 : i32
        %dma_start3A_77 = arith.constant 0 : i32
        %dma_start3A_78 = tpu.memref_slice %arg6[%add3A_76, %dma_start3A_77] : memref<32x64xi32, #tpu.memory_space<vmem>> -> memref<1x64xi32, #tpu.memory_space<vmem>>
        %dma_start3A_79 = tpu.memref_squeeze %dma_start3A_78 : memref<1x64xi32, #tpu.memory_space<vmem>> -> memref<64xi32, #tpu.memory_space<vmem>>
        %dma_start3A_80 = arith.constant 0 : i32
        %dma_start3A_81 = arith.constant 0 : i32
        %dma_start3A_82 = tpu.memref_slice %arg2[%dma_start3A_80, %dma_start3A_81] : memref<10112x128xf32, #tpu.memory_space<hbm>> -> memref<10112x128xf32, #tpu.memory_space<hbm>>
        tpu.enqueue_indirect_dma source(%dma_start3A_82 : memref<10112x128xf32, #tpu.memory_space<hbm>>) target(%arg9 : memref<64x128xf32, #tpu.memory_space<vmem>>) offsets(%dma_start3A_79 : memref<64xi32, #tpu.memory_space<vmem>>) semaphore(%arg14 : memref<!tpu.dma_semaphore, #tpu.memory_space<semaphore_mem>>)
        %mul3A_83 = arith.constant 4 : i32
        %mul3A_84 = arith.muli %add3A_59, %mul3A_83 : i32
        %add3A_85 = arith.constant 2 : i32
        %add3A_86 = arith.addi %mul3A_84, %add3A_85 : i32
        %dma_start3A_87 = arith.constant 0 : i32
        %dma_start3A_88 = tpu.memref_slice %arg6[%add3A_86, %dma_start3A_87] : memref<32x64xi32, #tpu.memory_space<vmem>> -> memref<1x64xi32, #tpu.memory_space<vmem>>
        %dma_start3A_89 = tpu.memref_squeeze %dma_start3A_88 : memref<1x64xi32, #tpu.memory_space<vmem>> -> memref<64xi32, #tpu.memory_space<vmem>>
        %dma_start3A_90 = arith.constant 0 : i32
        %dma_start3A_91 = arith.constant 0 : i32
        %dma_start3A_92 = tpu.memref_slice %arg2[%dma_start3A_90, %dma_start3A_91] : memref<10112x128xf32, #tpu.memory_space<hbm>> -> memref<10112x128xf32, #tpu.memory_space<hbm>>
        tpu.enqueue_indirect_dma source(%dma_start3A_92 : memref<10112x128xf32, #tpu.memory_space<hbm>>) target(%arg10 : memref<64x128xf32, #tpu.memory_space<vmem>>) offsets(%dma_start3A_89 : memref<64xi32, #tpu.memory_space<vmem>>) semaphore(%arg15 : memref<!tpu.dma_semaphore, #tpu.memory_space<semaphore_mem>>)
        %mul3A_93 = arith.constant 4 : i32
        %mul3A_94 = arith.muli %add3A_59, %mul3A_93 : i32
        %add3A_95 = arith.constant 3 : i32
        %add3A_96 = arith.addi %mul3A_94, %add3A_95 : i32
        %dma_start3A_97 = arith.constant 0 : i32
        %dma_start3A_98 = tpu.memref_slice %arg6[%add3A_96, %dma_start3A_97] : memref<32x64xi32, #tpu.memory_space<vmem>> -> memref<1x64xi32, #tpu.memory_space<vmem>>
        %dma_start3A_99 = tpu.memref_squeeze %dma_start3A_98 : memref<1x64xi32, #tpu.memory_space<vmem>> -> memref<64xi32, #tpu.memory_space<vmem>>
        %dma_start3A_100 = arith.constant 0 : i32
        %dma_start3A_101 = arith.constant 0 : i32
        %dma_start3A_102 = tpu.memref_slice %arg2[%dma_start3A_100, %dma_start3A_101] : memref<10112x128xf32, #tpu.memory_space<hbm>> -> memref<10112x128xf32, #tpu.memory_space<hbm>>
        tpu.enqueue_indirect_dma source(%dma_start3A_102 : memref<10112x128xf32, #tpu.memory_space<hbm>>) target(%arg11 : memref<64x128xf32, #tpu.memory_space<vmem>>) offsets(%dma_start3A_99 : memref<64xi32, #tpu.memory_space<vmem>>) semaphore(%arg16 : memref<!tpu.dma_semaphore, #tpu.memory_space<semaphore_mem>>)
        %dma_wait3A_103 = arith.constant 0 : i32
        %dma_wait3A_104 = tpu.memref_slice %arg6[%add3A_67, %dma_wait3A_103] : memref<32x64xi32, #tpu.memory_space<vmem>> -> memref<1x64xi32, #tpu.memory_space<vmem>>
        %dma_wait3A_105 = tpu.memref_squeeze %dma_wait3A_104 : memref<1x64xi32, #tpu.memory_space<vmem>> -> memref<64xi32, #tpu.memory_space<vmem>>
        %dma_wait3A_106 = arith.constant 0 : i32
        %dma_wait3A_107 = arith.constant 0 : i32
        %dma_wait3A_108 = tpu.memref_slice %arg2[%dma_wait3A_106, %dma_wait3A_107] : memref<10112x128xf32, #tpu.memory_space<hbm>> -> memref<10112x128xf32, #tpu.memory_space<hbm>>
        tpu.wait_indirect_dma semaphore(%arg13 : memref<!tpu.dma_semaphore, #tpu.memory_space<semaphore_mem>>) src(%dma_wait3A_108 : memref<10112x128xf32, #tpu.memory_space<hbm>>) dst(%arg8 : memref<64x128xf32, #tpu.memory_space<vmem>>)
        %mul3A_109 = arith.constant 4 : i32
        %mul3A_110 = arith.muli %add3A_59, %mul3A_109 : i32
        %add3A_111 = arith.constant 0 : i32
        %add3A_112 = arith.addi %mul3A_110, %add3A_111 : i32
        %dma_start3A_113 = arith.constant 0 : i32
        %dma_start3A_114 = tpu.memref_slice %arg7[%add3A_112, %dma_start3A_113] : memref<32x64xi32, #tpu.memory_space<vmem>> -> memref<1x64xi32, #tpu.memory_space<vmem>>
        %dma_start3A_115 = tpu.memref_squeeze %dma_start3A_114 : memref<1x64xi32, #tpu.memory_space<vmem>> -> memref<64xi32, #tpu.memory_space<vmem>>
        %dma_start3A_116 = arith.constant 0 : i32
        %dma_start3A_117 = arith.constant 0 : i32
        %dma_start3A_118 = tpu.memref_slice %arg12[%dma_start3A_116, %dma_start3A_117] : memref<10112x128xf32, #tpu.memory_space<vmem_shared>> -> memref<10112x128xf32, #tpu.memory_space<vmem_shared>>
        tpu.enqueue_indirect_dma source(%arg8 : memref<64x128xf32, #tpu.memory_space<vmem>>) target(%dma_start3A_118 : memref<10112x128xf32, #tpu.memory_space<vmem_shared>>) offsets(%dma_start3A_115 : memref<64xi32, #tpu.memory_space<vmem>>) semaphore(%arg17 : memref<!tpu.dma_semaphore, #tpu.memory_space<semaphore_mem>>) {add = true}
        %dma_wait3A_119 = arith.constant 0 : i32
        %dma_wait3A_120 = tpu.memref_slice %arg6[%add3A_76, %dma_wait3A_119] : memref<32x64xi32, #tpu.memory_space<vmem>> -> memref<1x64xi32, #tpu.memory_space<vmem>>
        %dma_wait3A_121 = tpu.memref_squeeze %dma_wait3A_120 : memref<1x64xi32, #tpu.memory_space<vmem>> -> memref<64xi32, #tpu.memory_space<vmem>>
        %dma_wait3A_122 = arith.constant 0 : i32
        %dma_wait3A_123 = arith.constant 0 : i32
        %dma_wait3A_124 = tpu.memref_slice %arg2[%dma_wait3A_122, %dma_wait3A_123] : memref<10112x128xf32, #tpu.memory_space<hbm>> -> memref<10112x128xf32, #tpu.memory_space<hbm>>
        tpu.wait_indirect_dma semaphore(%arg14 : memref<!tpu.dma_semaphore, #tpu.memory_space<semaphore_mem>>) src(%dma_wait3A_124 : memref<10112x128xf32, #tpu.memory_space<hbm>>) dst(%arg9 : memref<64x128xf32, #tpu.memory_space<vmem>>)
        %mul3A_125 = arith.constant 4 : i32
        %mul3A_126 = arith.muli %add3A_59, %mul3A_125 : i32
        %add3A_127 = arith.constant 1 : i32
        %add3A_128 = arith.addi %mul3A_126, %add3A_127 : i32
        %dma_start3A_129 = arith.constant 0 : i32
        %dma_start3A_130 = tpu.memref_slice %arg7[%add3A_128, %dma_start3A_129] : memref<32x64xi32, #tpu.memory_space<vmem>> -> memref<1x64xi32, #tpu.memory_space<vmem>>
        %dma_start3A_131 = tpu.memref_squeeze %dma_start3A_130 : memref<1x64xi32, #tpu.memory_space<vmem>> -> memref<64xi32, #tpu.memory_space<vmem>>
        %dma_start3A_132 = arith.constant 0 : i32
        %dma_start3A_133 = arith.constant 0 : i32
        %dma_start3A_134 = tpu.memref_slice %arg12[%dma_start3A_132, %dma_start3A_133] : memref<10112x128xf32, #tpu.memory_space<vmem_shared>> -> memref<10112x128xf32, #tpu.memory_space<vmem_shared>>
        tpu.enqueue_indirect_dma source(%arg9 : memref<64x128xf32, #tpu.memory_space<vmem>>) target(%dma_start3A_134 : memref<10112x128xf32, #tpu.memory_space<vmem_shared>>) offsets(%dma_start3A_131 : memref<64xi32, #tpu.memory_space<vmem>>) semaphore(%arg18 : memref<!tpu.dma_semaphore, #tpu.memory_space<semaphore_mem>>) {add = true}
        %dma_wait3A_135 = arith.constant 0 : i32
        %dma_wait3A_136 = tpu.memref_slice %arg6[%add3A_86, %dma_wait3A_135] : memref<32x64xi32, #tpu.memory_space<vmem>> -> memref<1x64xi32, #tpu.memory_space<vmem>>
        %dma_wait3A_137 = tpu.memref_squeeze %dma_wait3A_136 : memref<1x64xi32, #tpu.memory_space<vmem>> -> memref<64xi32, #tpu.memory_space<vmem>>
        %dma_wait3A_138 = arith.constant 0 : i32
        %dma_wait3A_139 = arith.constant 0 : i32
        %dma_wait3A_140 = tpu.memref_slice %arg2[%dma_wait3A_138, %dma_wait3A_139] : memref<10112x128xf32, #tpu.memory_space<hbm>> -> memref<10112x128xf32, #tpu.memory_space<hbm>>
        tpu.wait_indirect_dma semaphore(%arg15 : memref<!tpu.dma_semaphore, #tpu.memory_space<semaphore_mem>>) src(%dma_wait3A_140 : memref<10112x128xf32, #tpu.memory_space<hbm>>) dst(%arg10 : memref<64x128xf32, #tpu.memory_space<vmem>>)
        %mul3A_141 = arith.constant 4 : i32
        %mul3A_142 = arith.muli %add3A_59, %mul3A_141 : i32
        %add3A_143 = arith.constant 2 : i32
        %add3A_144 = arith.addi %mul3A_142, %add3A_143 : i32
        %dma_start3A_145 = arith.constant 0 : i32
        %dma_start3A_146 = tpu.memref_slice %arg7[%add3A_144, %dma_start3A_145] : memref<32x64xi32, #tpu.memory_space<vmem>> -> memref<1x64xi32, #tpu.memory_space<vmem>>
        %dma_start3A_147 = tpu.memref_squeeze %dma_start3A_146 : memref<1x64xi32, #tpu.memory_space<vmem>> -> memref<64xi32, #tpu.memory_space<vmem>>
        %dma_start3A_148 = arith.constant 0 : i32
        %dma_start3A_149 = arith.constant 0 : i32
        %dma_start3A_150 = tpu.memref_slice %arg12[%dma_start3A_148, %dma_start3A_149] : memref<10112x128xf32, #tpu.memory_space<vmem_shared>> -> memref<10112x128xf32, #tpu.memory_space<vmem_shared>>
        tpu.enqueue_indirect_dma source(%arg10 : memref<64x128xf32, #tpu.memory_space<vmem>>) target(%dma_start3A_150 : memref<10112x128xf32, #tpu.memory_space<vmem_shared>>) offsets(%dma_start3A_147 : memref<64xi32, #tpu.memory_space<vmem>>) semaphore(%arg19 : memref<!tpu.dma_semaphore, #tpu.memory_space<semaphore_mem>>) {add = true}
        %dma_wait3A_151 = arith.constant 0 : i32
        %dma_wait3A_152 = tpu.memref_slice %arg6[%add3A_96, %dma_wait3A_151] : memref<32x64xi32, #tpu.memory_space<vmem>> -> memref<1x64xi32, #tpu.memory_space<vmem>>
        %dma_wait3A_153 = tpu.memref_squeeze %dma_wait3A_152 : memref<1x64xi32, #tpu.memory_space<vmem>> -> memref<64xi32, #tpu.memory_space<vmem>>
        %dma_wait3A_154 = arith.constant 0 : i32
        %dma_wait3A_155 = arith.constant 0 : i32
        %dma_wait3A_156 = tpu.memref_slice %arg2[%dma_wait3A_154, %dma_wait3A_155] : memref<10112x128xf32, #tpu.memory_space<hbm>> -> memref<10112x128xf32, #tpu.memory_space<hbm>>
        tpu.wait_indirect_dma semaphore(%arg16 : memref<!tpu.dma_semaphore, #tpu.memory_space<semaphore_mem>>) src(%dma_wait3A_156 : memref<10112x128xf32, #tpu.memory_space<hbm>>) dst(%arg11 : memref<64x128xf32, #tpu.memory_space<vmem>>)
        %mul3A_157 = arith.constant 4 : i32
        %mul3A_158 = arith.muli %add3A_59, %mul3A_157 : i32
        %add3A_159 = arith.constant 3 : i32
        %add3A_160 = arith.addi %mul3A_158, %add3A_159 : i32
        %dma_start3A_161 = arith.constant 0 : i32
        %dma_start3A_162 = tpu.memref_slice %arg7[%add3A_160, %dma_start3A_161] : memref<32x64xi32, #tpu.memory_space<vmem>> -> memref<1x64xi32, #tpu.memory_space<vmem>>
        %dma_start3A_163 = tpu.memref_squeeze %dma_start3A_162 : memref<1x64xi32, #tpu.memory_space<vmem>> -> memref<64xi32, #tpu.memory_space<vmem>>
        %dma_start3A_164 = arith.constant 0 : i32
        %dma_start3A_165 = arith.constant 0 : i32
        %dma_start3A_166 = tpu.memref_slice %arg12[%dma_start3A_164, %dma_start3A_165] : memref<10112x128xf32, #tpu.memory_space<vmem_shared>> -> memref<10112x128xf32, #tpu.memory_space<vmem_shared>>
        tpu.enqueue_indirect_dma source(%arg11 : memref<64x128xf32, #tpu.memory_space<vmem>>) target(%dma_start3A_166 : memref<10112x128xf32, #tpu.memory_space<vmem_shared>>) offsets(%dma_start3A_163 : memref<64xi32, #tpu.memory_space<vmem>>) semaphore(%arg20 : memref<!tpu.dma_semaphore, #tpu.memory_space<semaphore_mem>>) {add = true}
      }
      %scan3A_54 = arith.constant 8 : i32
    }
    %scan3A_6 = arith.constant 5 : i32
    %dma_wait3A = arith.constant 0 : i32
    %dma_wait3A_7 = arith.constant 0 : i32
    %dma_wait3A_8 = tpu.memref_slice %arg2[%dma_wait3A, %dma_wait3A_7] : memref<10112x128xf32, #tpu.memory_space<hbm>> -> memref<64x128xf32, #tpu.memory_space<hbm>>
    %dma_wait3A_9 = arith.constant 0 : i32
    %dma_wait3A_10 = arith.constant 0 : i32
    %dma_wait3A_11 = tpu.memref_slice %arg2[%dma_wait3A_9, %dma_wait3A_10] : memref<10112x128xf32, #tpu.memory_space<hbm>> -> memref<64x128xf32, #tpu.memory_space<hbm>>
    tpu.wait_dma2 semaphore(%arg17 : memref<!tpu.dma_semaphore, #tpu.memory_space<semaphore_mem>>) src(%dma_wait3A_11 : memref<64x128xf32, #tpu.memory_space<hbm>>) dst(%arg8 : memref<64x128xf32, #tpu.memory_space<vmem>>)
    %dma_wait3A_12 = arith.constant 0 : i32
    %dma_wait3A_13 = arith.constant 0 : i32
    %dma_wait3A_14 = tpu.memref_slice %arg2[%dma_wait3A_12, %dma_wait3A_13] : memref<10112x128xf32, #tpu.memory_space<hbm>> -> memref<64x128xf32, #tpu.memory_space<hbm>>
    %dma_wait3A_15 = arith.constant 0 : i32
    %dma_wait3A_16 = arith.constant 0 : i32
    %dma_wait3A_17 = tpu.memref_slice %arg2[%dma_wait3A_15, %dma_wait3A_16] : memref<10112x128xf32, #tpu.memory_space<hbm>> -> memref<64x128xf32, #tpu.memory_space<hbm>>
    tpu.wait_dma2 semaphore(%arg18 : memref<!tpu.dma_semaphore, #tpu.memory_space<semaphore_mem>>) src(%dma_wait3A_17 : memref<64x128xf32, #tpu.memory_space<hbm>>) dst(%arg9 : memref<64x128xf32, #tpu.memory_space<vmem>>)
    %dma_wait3A_18 = arith.constant 0 : i32
    %dma_wait3A_19 = arith.constant 0 : i32
    %dma_wait3A_20 = tpu.memref_slice %arg2[%dma_wait3A_18, %dma_wait3A_19] : memref<10112x128xf32, #tpu.memory_space<hbm>> -> memref<64x128xf32, #tpu.memory_space<hbm>>
    %dma_wait3A_21 = arith.constant 0 : i32
    %dma_wait3A_22 = arith.constant 0 : i32
    %dma_wait3A_23 = tpu.memref_slice %arg2[%dma_wait3A_21, %dma_wait3A_22] : memref<10112x128xf32, #tpu.memory_space<hbm>> -> memref<64x128xf32, #tpu.memory_space<hbm>>
    tpu.wait_dma2 semaphore(%arg19 : memref<!tpu.dma_semaphore, #tpu.memory_space<semaphore_mem>>) src(%dma_wait3A_23 : memref<64x128xf32, #tpu.memory_space<hbm>>) dst(%arg10 : memref<64x128xf32, #tpu.memory_space<vmem>>)
    %dma_wait3A_24 = arith.constant 0 : i32
    %dma_wait3A_25 = arith.constant 0 : i32
    %dma_wait3A_26 = tpu.memref_slice %arg2[%dma_wait3A_24, %dma_wait3A_25] : memref<10112x128xf32, #tpu.memory_space<hbm>> -> memref<64x128xf32, #tpu.memory_space<hbm>>
    %dma_wait3A_27 = arith.constant 0 : i32
    %dma_wait3A_28 = arith.constant 0 : i32
    %dma_wait3A_29 = tpu.memref_slice %arg2[%dma_wait3A_27, %dma_wait3A_28] : memref<10112x128xf32, #tpu.memory_space<hbm>> -> memref<64x128xf32, #tpu.memory_space<hbm>>
    tpu.wait_dma2 semaphore(%arg20 : memref<!tpu.dma_semaphore, #tpu.memory_space<semaphore_mem>>) src(%dma_wait3A_29 : memref<64x128xf32, #tpu.memory_space<hbm>>) dst(%arg11 : memref<64x128xf32, #tpu.memory_space<vmem>>)
    %barrier3A_30 = arith.constant 0 : index
    tpu.barrier barrier_id(%barrier3A_30)
    %mul3A_31 = arith.constant 632 : i32
    %mul3A_32 = arith.muli %arg1, %mul3A_31 : i32
    %mul3A_33 = arith.constant 10112 : i32
    %mul3A_34 = arith.muli %arg0, %mul3A_33 : i32
    %mul3A_35 = arith.constant 632 : i32
    %mul3A_36 = arith.muli %arg1, %mul3A_35 : i32
    %add3A = arith.addi %mul3A_34, %mul3A_36 : i32
    "tpu.region"() ({
      %run_scoped3A = tpu.sem_alloc : memref<!tpu.dma_semaphore, #tpu.memory_space<semaphore_mem>>
      %dma_start3A = arith.constant 0 : i32
      %dma_start3A_37 = tpu.memref_slice %arg5[%add3A, %dma_start3A] : memref<20224x128xf32, #tpu.memory_space<hbm>> -> memref<632x128xf32, #tpu.memory_space<hbm>>
      %dma_start3A_38 = arith.constant 0 : i32
      %dma_start3A_39 = tpu.memref_slice %arg12[%mul3A_32, %dma_start3A_38] : memref<10112x128xf32, #tpu.memory_space<vmem_shared>> -> memref<632x128xf32, #tpu.memory_space<vmem_shared>>
      tpu.enqueue_dma source(%dma_start3A_39 : memref<632x128xf32, #tpu.memory_space<vmem_shared>>) target(%dma_start3A_37 : memref<632x128xf32, #tpu.memory_space<hbm>>) target_semaphore(%run_scoped3A : memref<!tpu.dma_semaphore, #tpu.memory_space<semaphore_mem>>)
      %dma_wait3A_40 = arith.constant 0 : i32
      %dma_wait3A_41 = tpu.memref_slice %arg5[%add3A, %dma_wait3A_40] : memref<20224x128xf32, #tpu.memory_space<hbm>> -> memref<632x128xf32, #tpu.memory_space<hbm>>
      %dma_wait3A_42 = arith.constant 0 : i32
      %dma_wait3A_43 = tpu.memref_slice %arg12[%mul3A_32, %dma_wait3A_42] : memref<10112x128xf32, #tpu.memory_space<vmem_shared>> -> memref<632x128xf32, #tpu.memory_space<vmem_shared>>
      tpu.wait_dma2 semaphore(%run_scoped3A : memref<!tpu.dma_semaphore, #tpu.memory_space<semaphore_mem>>) src(%dma_wait3A_43 : memref<632x128xf32, #tpu.memory_space<vmem_shared>>) dst(%dma_wait3A_41 : memref<632x128xf32, #tpu.memory_space<hbm>>)
      tpu.yield
    }) : () -> ()
    return
  }
}

#map = affine_map<(d0, d1) -> (0, 0)>
module attributes {stable_mosaic.version = 14 : i64} {
  func.func @agg(%arg0: i32, %arg1: i32, %arg2: memref<10112x128xf32, #tpu.memory_space<hbm>>, %arg3: memref<5120x64xi32, #tpu.memory_space<hbm>>, %arg4: memref<5120x64xi32, #tpu.memory_space<hbm>>, %arg5: memref<20224x128xf32, #tpu.memory_space<hbm>>, %arg6: memref<32x64xi32, #tpu.memory_space<vmem>>, %arg7: memref<32x64xi32, #tpu.memory_space<vmem>>, %arg8: memref<64x128xf32, #tpu.memory_space<vmem>>, %arg9: memref<64x128xf32, #tpu.memory_space<vmem>>, %arg10: memref<64x128xf32, #tpu.memory_space<vmem>>, %arg11: memref<64x128xf32, #tpu.memory_space<vmem>>, %arg12: memref<10112x128xf32, #tpu.memory_space<vmem_shared>>, %arg13: memref<!tpu.dma_semaphore, #tpu.memory_space<semaphore_mem>>, %arg14: memref<!tpu.dma_semaphore, #tpu.memory_space<semaphore_mem>>, %arg15: memref<!tpu.dma_semaphore, #tpu.memory_space<semaphore_mem>>, %arg16: memref<!tpu.dma_semaphore, #tpu.memory_space<semaphore_mem>>, %arg17: memref<!tpu.dma_semaphore, #tpu.memory_space<semaphore_mem>>, %arg18: memref<!tpu.dma_semaphore, #tpu.memory_space<semaphore_mem>>, %arg19: memref<!tpu.dma_semaphore, #tpu.memory_space<semaphore_mem>>, %arg20: memref<!tpu.dma_semaphore, #tpu.memory_space<semaphore_mem>>) attributes {dimension_semantics = [#tpu.dimension_semantics<core_parallel>, #tpu.dimension_semantics<subcore_parallel>], iteration_bounds = array<i64: 2, 16>, scalar_prefetch = 0 : i64, scratch_operands = 15 : i64, tpu.core_type = #tpu.core_type<sc_vector_subcore>, window_params = [{transform_indices = #map}, {transform_indices = #map}, {transform_indices = #map}, {transform_indices = #map}]} {
    %mul3A = arith.constant 632 : i32
    %mul3A_0 = arith.muli %arg1, %mul3A : i32
    %mul3A_1 = arith.constant 632 : i32
    %mul3A_2 = arith.muli %arg1, %mul3A_1 : i32
    "tpu.region"() ({
      %run_scoped3A = tpu.sem_alloc : memref<!tpu.dma_semaphore, #tpu.memory_space<semaphore_mem>>
      %dma_start3A = arith.constant 0 : i32
      %dma_start3A_37 = tpu.memref_slice %arg12[%mul3A_2, %dma_start3A] : memref<10112x128xf32, #tpu.memory_space<vmem_shared>> -> memref<632x128xf32, #tpu.memory_space<vmem_shared>>
      %dma_start3A_38 = arith.constant 0 : i32
      %dma_start3A_39 = tpu.memref_slice %arg2[%mul3A_0, %dma_start3A_38] : memref<10112x128xf32, #tpu.memory_space<hbm>> -> memref<632x128xf32, #tpu.memory_space<hbm>>
      tpu.enqueue_dma source(%dma_start3A_39 : memref<632x128xf32, #tpu.memory_space<hbm>>) target(%dma_start3A_37 : memref<632x128xf32, #tpu.memory_space<vmem_shared>>) target_semaphore(%run_scoped3A : memref<!tpu.dma_semaphore, #tpu.memory_space<semaphore_mem>>)
      %dma_wait3A_40 = arith.constant 0 : i32
      %dma_wait3A_41 = tpu.memref_slice %arg12[%mul3A_2, %dma_wait3A_40] : memref<10112x128xf32, #tpu.memory_space<vmem_shared>> -> memref<632x128xf32, #tpu.memory_space<vmem_shared>>
      %dma_wait3A_42 = arith.constant 0 : i32
      %dma_wait3A_43 = tpu.memref_slice %arg2[%mul3A_0, %dma_wait3A_42] : memref<10112x128xf32, #tpu.memory_space<hbm>> -> memref<632x128xf32, #tpu.memory_space<hbm>>
      tpu.wait_dma2 semaphore(%run_scoped3A : memref<!tpu.dma_semaphore, #tpu.memory_space<semaphore_mem>>) src(%dma_wait3A_43 : memref<632x128xf32, #tpu.memory_space<hbm>>) dst(%dma_wait3A_41 : memref<632x128xf32, #tpu.memory_space<vmem_shared>>)
      tpu.yield
    }) : () -> ()
    %barrier3A = arith.constant 0 : index
    tpu.barrier barrier_id(%barrier3A)
    %scan3A = arith.constant 0 : i32
    %scan3A_3 = arith.constant 5 : i32
    %scan3A_4 = arith.addi %scan3A, %scan3A_3 : i32
    %scan3A_5 = arith.constant 1 : i32
    scf.for %scan3A_37 = %scan3A to %scan3A_4 step %scan3A_5  : i32 {
      %mul3A_38 = arith.constant 1 : i32
      %mul3A_39 = arith.muli %scan3A_37, %mul3A_38 : i32
      %add3A_40 = arith.constant 0 : i32
      %add3A_41 = arith.addi %add3A_40, %mul3A_39 : i32
      %mul3A_42 = arith.constant 16 : i32
      %mul3A_43 = arith.muli %arg0, %mul3A_42 : i32
      %add3A_44 = arith.addi %mul3A_43, %arg1 : i32
      %mul3A_45 = arith.constant 160 : i32
      %mul3A_46 = arith.muli %add3A_44, %mul3A_45 : i32
      %mul3A_47 = arith.constant 32 : i32
      %mul3A_48 = arith.muli %add3A_41, %mul3A_47 : i32
      %add3A_49 = arith.addi %mul3A_46, %mul3A_48 : i32
      "tpu.region"() ({
        %run_scoped3A = tpu.sem_alloc : memref<!tpu.dma_semaphore, #tpu.memory_space<semaphore_mem>>
        %dma_start3A = arith.constant 0 : i32
        %dma_start3A_55 = tpu.memref_slice %arg3[%add3A_49, %dma_start3A] : memref<5120x64xi32, #tpu.memory_space<hbm>> -> memref<32x64xi32, #tpu.memory_space<hbm>>
        %dma_start3A_56 = arith.constant 0 : i32
        %dma_start3A_57 = tpu.memref_slice %arg3[%add3A_49, %dma_start3A_56] : memref<5120x64xi32, #tpu.memory_space<hbm>> -> memref<32x64xi32, #tpu.memory_space<hbm>>
        tpu.enqueue_dma source(%dma_start3A_57 : memref<32x64xi32, #tpu.memory_space<hbm>>) target(%arg6 : memref<32x64xi32, #tpu.memory_space<vmem>>) target_semaphore(%run_scoped3A : memref<!tpu.dma_semaphore, #tpu.memory_space<semaphore_mem>>)
        %dma_wait3A_58 = arith.constant 0 : i32
        %dma_wait3A_59 = tpu.memref_slice %arg3[%add3A_49, %dma_wait3A_58] : memref<5120x64xi32, #tpu.memory_space<hbm>> -> memref<32x64xi32, #tpu.memory_space<hbm>>
        %dma_wait3A_60 = arith.constant 0 : i32
        %dma_wait3A_61 = tpu.memref_slice %arg3[%add3A_49, %dma_wait3A_60] : memref<5120x64xi32, #tpu.memory_space<hbm>> -> memref<32x64xi32, #tpu.memory_space<hbm>>
        tpu.wait_dma2 semaphore(%run_scoped3A : memref<!tpu.dma_semaphore, #tpu.memory_space<semaphore_mem>>) src(%dma_wait3A_61 : memref<32x64xi32, #tpu.memory_space<hbm>>) dst(%arg6 : memref<32x64xi32, #tpu.memory_space<vmem>>)
        tpu.yield
      }) : () -> ()
      "tpu.region"() ({
        %run_scoped3A = tpu.sem_alloc : memref<!tpu.dma_semaphore, #tpu.memory_space<semaphore_mem>>
        %dma_start3A = arith.constant 0 : i32
        %dma_start3A_55 = tpu.memref_slice %arg4[%add3A_49, %dma_start3A] : memref<5120x64xi32, #tpu.memory_space<hbm>> -> memref<32x64xi32, #tpu.memory_space<hbm>>
        %dma_start3A_56 = arith.constant 0 : i32
        %dma_start3A_57 = tpu.memref_slice %arg4[%add3A_49, %dma_start3A_56] : memref<5120x64xi32, #tpu.memory_space<hbm>> -> memref<32x64xi32, #tpu.memory_space<hbm>>
        tpu.enqueue_dma source(%dma_start3A_57 : memref<32x64xi32, #tpu.memory_space<hbm>>) target(%arg7 : memref<32x64xi32, #tpu.memory_space<vmem>>) target_semaphore(%run_scoped3A : memref<!tpu.dma_semaphore, #tpu.memory_space<semaphore_mem>>)
        %dma_wait3A_58 = arith.constant 0 : i32
        %dma_wait3A_59 = tpu.memref_slice %arg4[%add3A_49, %dma_wait3A_58] : memref<5120x64xi32, #tpu.memory_space<hbm>> -> memref<32x64xi32, #tpu.memory_space<hbm>>
        %dma_wait3A_60 = arith.constant 0 : i32
        %dma_wait3A_61 = tpu.memref_slice %arg4[%add3A_49, %dma_wait3A_60] : memref<5120x64xi32, #tpu.memory_space<hbm>> -> memref<32x64xi32, #tpu.memory_space<hbm>>
        tpu.wait_dma2 semaphore(%run_scoped3A : memref<!tpu.dma_semaphore, #tpu.memory_space<semaphore_mem>>) src(%dma_wait3A_61 : memref<32x64xi32, #tpu.memory_space<hbm>>) dst(%arg7 : memref<32x64xi32, #tpu.memory_space<vmem>>)
        tpu.yield
      }) : () -> ()
      %scan3A_50 = arith.constant 0 : i32
      %scan3A_51 = arith.constant 8 : i32
      %scan3A_52 = arith.addi %scan3A_50, %scan3A_51 : i32
      %scan3A_53 = arith.constant 1 : i32
      scf.for %scan3A_55 = %scan3A_50 to %scan3A_52 step %scan3A_53  : i32 {
        %mul3A_56 = arith.constant 1 : i32
        %mul3A_57 = arith.muli %scan3A_55, %mul3A_56 : i32
        %add3A_58 = arith.constant 0 : i32
        %add3A_59 = arith.addi %add3A_58, %mul3A_57 : i32
        %gt3A = arith.constant 0 : i32
        %gt3A_60 = arith.cmpi sgt, %add3A_41, %gt3A : i32
        %gt3A_61 = arith.constant 0 : i32
        %gt3A_62 = arith.cmpi sgt, %add3A_59, %gt3A_61 : i32
        %or3A = arith.ori %gt3A_60, %gt3A_62 : i1
        %convert_element_type3A = arith.extui %or3A : i1 to i32
        %cond3A = arith.constant 0 : i32
        %cond3A_63 = arith.cmpi ne, %convert_element_type3A, %cond3A : i32
        scf.if %cond3A_63 {
          %dma_wait3A_167 = arith.constant 0 : i32
          %dma_wait3A_168 = arith.constant 0 : i32
          %dma_wait3A_169 = tpu.memref_slice %arg2[%dma_wait3A_167, %dma_wait3A_168] : memref<10112x128xf32, #tpu.memory_space<hbm>> -> memref<64x128xf32, #tpu.memory_space<hbm>>
          %dma_wait3A_170 = arith.constant 0 : i32
          %dma_wait3A_171 = arith.constant 0 : i32
          %dma_wait3A_172 = tpu.memref_slice %arg2[%dma_wait3A_170, %dma_wait3A_171] : memref<10112x128xf32, #tpu.memory_space<hbm>> -> memref<64x128xf32, #tpu.memory_space<hbm>>
          tpu.wait_dma2 semaphore(%arg17 : memref<!tpu.dma_semaphore, #tpu.memory_space<semaphore_mem>>) src(%dma_wait3A_172 : memref<64x128xf32, #tpu.memory_space<hbm>>) dst(%arg8 : memref<64x128xf32, #tpu.memory_space<vmem>>)
          %dma_wait3A_173 = arith.constant 0 : i32
          %dma_wait3A_174 = arith.constant 0 : i32
          %dma_wait3A_175 = tpu.memref_slice %arg2[%dma_wait3A_173, %dma_wait3A_174] : memref<10112x128xf32, #tpu.memory_space<hbm>> -> memref<64x128xf32, #tpu.memory_space<hbm>>
          %dma_wait3A_176 = arith.constant 0 : i32
          %dma_wait3A_177 = arith.constant 0 : i32
          %dma_wait3A_178 = tpu.memref_slice %arg2[%dma_wait3A_176, %dma_wait3A_177] : memref<10112x128xf32, #tpu.memory_space<hbm>> -> memref<64x128xf32, #tpu.memory_space<hbm>>
          tpu.wait_dma2 semaphore(%arg18 : memref<!tpu.dma_semaphore, #tpu.memory_space<semaphore_mem>>) src(%dma_wait3A_178 : memref<64x128xf32, #tpu.memory_space<hbm>>) dst(%arg9 : memref<64x128xf32, #tpu.memory_space<vmem>>)
          %dma_wait3A_179 = arith.constant 0 : i32
          %dma_wait3A_180 = arith.constant 0 : i32
          %dma_wait3A_181 = tpu.memref_slice %arg2[%dma_wait3A_179, %dma_wait3A_180] : memref<10112x128xf32, #tpu.memory_space<hbm>> -> memref<64x128xf32, #tpu.memory_space<hbm>>
          %dma_wait3A_182 = arith.constant 0 : i32
          %dma_wait3A_183 = arith.constant 0 : i32
          %dma_wait3A_184 = tpu.memref_slice %arg2[%dma_wait3A_182, %dma_wait3A_183] : memref<10112x128xf32, #tpu.memory_space<hbm>> -> memref<64x128xf32, #tpu.memory_space<hbm>>
          tpu.wait_dma2 semaphore(%arg19 : memref<!tpu.dma_semaphore, #tpu.memory_space<semaphore_mem>>) src(%dma_wait3A_184 : memref<64x128xf32, #tpu.memory_space<hbm>>) dst(%arg10 : memref<64x128xf32, #tpu.memory_space<vmem>>)
          %dma_wait3A_185 = arith.constant 0 : i32
          %dma_wait3A_186 = arith.constant 0 : i32
          %dma_wait3A_187 = tpu.memref_slice %arg2[%dma_wait3A_185, %dma_wait3A_186] : memref<10112x128xf32, #tpu.memory_space<hbm>> -> memref<64x128xf32, #tpu.memory_space<hbm>>
          %dma_wait3A_188 = arith.constant 0 : i32
          %dma_wait3A_189 = arith.constant 0 : i32
          %dma_wait3A_190 = tpu.memref_slice %arg2[%dma_wait3A_188, %dma_wait3A_189] : memref<10112x128xf32, #tpu.memory_space<hbm>> -> memref<64x128xf32, #tpu.memory_space<hbm>>
          tpu.wait_dma2 semaphore(%arg20 : memref<!tpu.dma_semaphore, #tpu.memory_space<semaphore_mem>>) src(%dma_wait3A_190 : memref<64x128xf32, #tpu.memory_space<hbm>>) dst(%arg11 : memref<64x128xf32, #tpu.memory_space<vmem>>)
        } else {
        }
        %mul3A_64 = arith.constant 4 : i32
        %mul3A_65 = arith.muli %add3A_59, %mul3A_64 : i32
        %add3A_66 = arith.constant 0 : i32
        %add3A_67 = arith.addi %mul3A_65, %add3A_66 : i32
        %dma_start3A = arith.constant 0 : i32
        %dma_start3A_68 = tpu.memref_slice %arg6[%add3A_67, %dma_start3A] : memref<32x64xi32, #tpu.memory_space<vmem>> -> memref<1x64xi32, #tpu.memory_space<vmem>>
        %dma_start3A_69 = tpu.memref_squeeze %dma_start3A_68 : memref<1x64xi32, #tpu.memory_space<vmem>> -> memref<64xi32, #tpu.memory_space<vmem>>
        %dma_start3A_70 = arith.constant 0 : i32
        %dma_start3A_71 = arith.constant 0 : i32
        %dma_start3A_72 = tpu.memref_slice %arg2[%dma_start3A_70, %dma_start3A_71] : memref<10112x128xf32, #tpu.memory_space<hbm>> -> memref<10112x128xf32, #tpu.memory_space<hbm>>
        tpu.enqueue_indirect_dma source(%dma_start3A_72 : memref<10112x128xf32, #tpu.memory_space<hbm>>) target(%arg8 : memref<64x128xf32, #tpu.memory_space<vmem>>) offsets(%dma_start3A_69 : memref<64xi32, #tpu.memory_space<vmem>>) semaphore(%arg13 : memref<!tpu.dma_semaphore, #tpu.memory_space<semaphore_mem>>)
        %mul3A_73 = arith.constant 4 : i32
        %mul3A_74 = arith.muli %add3A_59, %mul3A_73 : i32
        %add3A_75 = arith.constant 1 : i32
        %add3A_76 = arith.addi %mul3A_74, %add3A_75 : i32
        %dma_start3A_77 = arith.constant 0 : i32
        %dma_start3A_78 = tpu.memref_slice %arg6[%add3A_76, %dma_start3A_77] : memref<32x64xi32, #tpu.memory_space<vmem>> -> memref<1x64xi32, #tpu.memory_space<vmem>>
        %dma_start3A_79 = tpu.memref_squeeze %dma_start3A_78 : memref<1x64xi32, #tpu.memory_space<vmem>> -> memref<64xi32, #tpu.memory_space<vmem>>
        %dma_start3A_80 = arith.constant 0 : i32
        %dma_start3A_81 = arith.constant 0 : i32
        %dma_start3A_82 = tpu.memref_slice %arg2[%dma_start3A_80, %dma_start3A_81] : memref<10112x128xf32, #tpu.memory_space<hbm>> -> memref<10112x128xf32, #tpu.memory_space<hbm>>
        tpu.enqueue_indirect_dma source(%dma_start3A_82 : memref<10112x128xf32, #tpu.memory_space<hbm>>) target(%arg9 : memref<64x128xf32, #tpu.memory_space<vmem>>) offsets(%dma_start3A_79 : memref<64xi32, #tpu.memory_space<vmem>>) semaphore(%arg14 : memref<!tpu.dma_semaphore, #tpu.memory_space<semaphore_mem>>)
        %mul3A_83 = arith.constant 4 : i32
        %mul3A_84 = arith.muli %add3A_59, %mul3A_83 : i32
        %add3A_85 = arith.constant 2 : i32
        %add3A_86 = arith.addi %mul3A_84, %add3A_85 : i32
        %dma_start3A_87 = arith.constant 0 : i32
        %dma_start3A_88 = tpu.memref_slice %arg6[%add3A_86, %dma_start3A_87] : memref<32x64xi32, #tpu.memory_space<vmem>> -> memref<1x64xi32, #tpu.memory_space<vmem>>
        %dma_start3A_89 = tpu.memref_squeeze %dma_start3A_88 : memref<1x64xi32, #tpu.memory_space<vmem>> -> memref<64xi32, #tpu.memory_space<vmem>>
        %dma_start3A_90 = arith.constant 0 : i32
        %dma_start3A_91 = arith.constant 0 : i32
        %dma_start3A_92 = tpu.memref_slice %arg2[%dma_start3A_90, %dma_start3A_91] : memref<10112x128xf32, #tpu.memory_space<hbm>> -> memref<10112x128xf32, #tpu.memory_space<hbm>>
        tpu.enqueue_indirect_dma source(%dma_start3A_92 : memref<10112x128xf32, #tpu.memory_space<hbm>>) target(%arg10 : memref<64x128xf32, #tpu.memory_space<vmem>>) offsets(%dma_start3A_89 : memref<64xi32, #tpu.memory_space<vmem>>) semaphore(%arg15 : memref<!tpu.dma_semaphore, #tpu.memory_space<semaphore_mem>>)
        %mul3A_93 = arith.constant 4 : i32
        %mul3A_94 = arith.muli %add3A_59, %mul3A_93 : i32
        %add3A_95 = arith.constant 3 : i32
        %add3A_96 = arith.addi %mul3A_94, %add3A_95 : i32
        %dma_start3A_97 = arith.constant 0 : i32
        %dma_start3A_98 = tpu.memref_slice %arg6[%add3A_96, %dma_start3A_97] : memref<32x64xi32, #tpu.memory_space<vmem>> -> memref<1x64xi32, #tpu.memory_space<vmem>>
        %dma_start3A_99 = tpu.memref_squeeze %dma_start3A_98 : memref<1x64xi32, #tpu.memory_space<vmem>> -> memref<64xi32, #tpu.memory_space<vmem>>
        %dma_start3A_100 = arith.constant 0 : i32
        %dma_start3A_101 = arith.constant 0 : i32
        %dma_start3A_102 = tpu.memref_slice %arg2[%dma_start3A_100, %dma_start3A_101] : memref<10112x128xf32, #tpu.memory_space<hbm>> -> memref<10112x128xf32, #tpu.memory_space<hbm>>
        tpu.enqueue_indirect_dma source(%dma_start3A_102 : memref<10112x128xf32, #tpu.memory_space<hbm>>) target(%arg11 : memref<64x128xf32, #tpu.memory_space<vmem>>) offsets(%dma_start3A_99 : memref<64xi32, #tpu.memory_space<vmem>>) semaphore(%arg16 : memref<!tpu.dma_semaphore, #tpu.memory_space<semaphore_mem>>)
        %dma_wait3A_103 = arith.constant 0 : i32
        %dma_wait3A_104 = tpu.memref_slice %arg6[%add3A_67, %dma_wait3A_103] : memref<32x64xi32, #tpu.memory_space<vmem>> -> memref<1x64xi32, #tpu.memory_space<vmem>>
        %dma_wait3A_105 = tpu.memref_squeeze %dma_wait3A_104 : memref<1x64xi32, #tpu.memory_space<vmem>> -> memref<64xi32, #tpu.memory_space<vmem>>
        %dma_wait3A_106 = arith.constant 0 : i32
        %dma_wait3A_107 = arith.constant 0 : i32
        %dma_wait3A_108 = tpu.memref_slice %arg2[%dma_wait3A_106, %dma_wait3A_107] : memref<10112x128xf32, #tpu.memory_space<hbm>> -> memref<10112x128xf32, #tpu.memory_space<hbm>>
        tpu.wait_indirect_dma semaphore(%arg13 : memref<!tpu.dma_semaphore, #tpu.memory_space<semaphore_mem>>) src(%dma_wait3A_108 : memref<10112x128xf32, #tpu.memory_space<hbm>>) dst(%arg8 : memref<64x128xf32, #tpu.memory_space<vmem>>)
        %mul3A_109 = arith.constant 4 : i32
        %mul3A_110 = arith.muli %add3A_59, %mul3A_109 : i32
        %add3A_111 = arith.constant 0 : i32
        %add3A_112 = arith.addi %mul3A_110, %add3A_111 : i32
        %dma_start3A_113 = arith.constant 0 : i32
        %dma_start3A_114 = tpu.memref_slice %arg7[%add3A_112, %dma_start3A_113] : memref<32x64xi32, #tpu.memory_space<vmem>> -> memref<1x64xi32, #tpu.memory_space<vmem>>
        %dma_start3A_115 = tpu.memref_squeeze %dma_start3A_114 : memref<1x64xi32, #tpu.memory_space<vmem>> -> memref<64xi32, #tpu.memory_space<vmem>>
        %dma_start3A_116 = arith.constant 0 : i32
        %dma_start3A_117 = arith.constant 0 : i32
        %dma_start3A_118 = tpu.memref_slice %arg12[%dma_start3A_116, %dma_start3A_117] : memref<10112x128xf32, #tpu.memory_space<vmem_shared>> -> memref<10112x128xf32, #tpu.memory_space<vmem_shared>>
        tpu.enqueue_indirect_dma source(%arg8 : memref<64x128xf32, #tpu.memory_space<vmem>>) target(%dma_start3A_118 : memref<10112x128xf32, #tpu.memory_space<vmem_shared>>) offsets(%dma_start3A_115 : memref<64xi32, #tpu.memory_space<vmem>>) semaphore(%arg17 : memref<!tpu.dma_semaphore, #tpu.memory_space<semaphore_mem>>) {add = true}
        %dma_wait3A_119 = arith.constant 0 : i32
        %dma_wait3A_120 = tpu.memref_slice %arg6[%add3A_76, %dma_wait3A_119] : memref<32x64xi32, #tpu.memory_space<vmem>> -> memref<1x64xi32, #tpu.memory_space<vmem>>
        %dma_wait3A_121 = tpu.memref_squeeze %dma_wait3A_120 : memref<1x64xi32, #tpu.memory_space<vmem>> -> memref<64xi32, #tpu.memory_space<vmem>>
        %dma_wait3A_122 = arith.constant 0 : i32
        %dma_wait3A_123 = arith.constant 0 : i32
        %dma_wait3A_124 = tpu.memref_slice %arg2[%dma_wait3A_122, %dma_wait3A_123] : memref<10112x128xf32, #tpu.memory_space<hbm>> -> memref<10112x128xf32, #tpu.memory_space<hbm>>
        tpu.wait_indirect_dma semaphore(%arg14 : memref<!tpu.dma_semaphore, #tpu.memory_space<semaphore_mem>>) src(%dma_wait3A_124 : memref<10112x128xf32, #tpu.memory_space<hbm>>) dst(%arg9 : memref<64x128xf32, #tpu.memory_space<vmem>>)
        %mul3A_125 = arith.constant 4 : i32
        %mul3A_126 = arith.muli %add3A_59, %mul3A_125 : i32
        %add3A_127 = arith.constant 1 : i32
        %add3A_128 = arith.addi %mul3A_126, %add3A_127 : i32
        %dma_start3A_129 = arith.constant 0 : i32
        %dma_start3A_130 = tpu.memref_slice %arg7[%add3A_128, %dma_start3A_129] : memref<32x64xi32, #tpu.memory_space<vmem>> -> memref<1x64xi32, #tpu.memory_space<vmem>>
        %dma_start3A_131 = tpu.memref_squeeze %dma_start3A_130 : memref<1x64xi32, #tpu.memory_space<vmem>> -> memref<64xi32, #tpu.memory_space<vmem>>
        %dma_start3A_132 = arith.constant 0 : i32
        %dma_start3A_133 = arith.constant 0 : i32
        %dma_start3A_134 = tpu.memref_slice %arg12[%dma_start3A_132, %dma_start3A_133] : memref<10112x128xf32, #tpu.memory_space<vmem_shared>> -> memref<10112x128xf32, #tpu.memory_space<vmem_shared>>
        tpu.enqueue_indirect_dma source(%arg9 : memref<64x128xf32, #tpu.memory_space<vmem>>) target(%dma_start3A_134 : memref<10112x128xf32, #tpu.memory_space<vmem_shared>>) offsets(%dma_start3A_131 : memref<64xi32, #tpu.memory_space<vmem>>) semaphore(%arg18 : memref<!tpu.dma_semaphore, #tpu.memory_space<semaphore_mem>>) {add = true}
        %dma_wait3A_135 = arith.constant 0 : i32
        %dma_wait3A_136 = tpu.memref_slice %arg6[%add3A_86, %dma_wait3A_135] : memref<32x64xi32, #tpu.memory_space<vmem>> -> memref<1x64xi32, #tpu.memory_space<vmem>>
        %dma_wait3A_137 = tpu.memref_squeeze %dma_wait3A_136 : memref<1x64xi32, #tpu.memory_space<vmem>> -> memref<64xi32, #tpu.memory_space<vmem>>
        %dma_wait3A_138 = arith.constant 0 : i32
        %dma_wait3A_139 = arith.constant 0 : i32
        %dma_wait3A_140 = tpu.memref_slice %arg2[%dma_wait3A_138, %dma_wait3A_139] : memref<10112x128xf32, #tpu.memory_space<hbm>> -> memref<10112x128xf32, #tpu.memory_space<hbm>>
        tpu.wait_indirect_dma semaphore(%arg15 : memref<!tpu.dma_semaphore, #tpu.memory_space<semaphore_mem>>) src(%dma_wait3A_140 : memref<10112x128xf32, #tpu.memory_space<hbm>>) dst(%arg10 : memref<64x128xf32, #tpu.memory_space<vmem>>)
        %mul3A_141 = arith.constant 4 : i32
        %mul3A_142 = arith.muli %add3A_59, %mul3A_141 : i32
        %add3A_143 = arith.constant 2 : i32
        %add3A_144 = arith.addi %mul3A_142, %add3A_143 : i32
        %dma_start3A_145 = arith.constant 0 : i32
        %dma_start3A_146 = tpu.memref_slice %arg7[%add3A_144, %dma_start3A_145] : memref<32x64xi32, #tpu.memory_space<vmem>> -> memref<1x64xi32, #tpu.memory_space<vmem>>
        %dma_start3A_147 = tpu.memref_squeeze %dma_start3A_146 : memref<1x64xi32, #tpu.memory_space<vmem>> -> memref<64xi32, #tpu.memory_space<vmem>>
        %dma_start3A_148 = arith.constant 0 : i32
        %dma_start3A_149 = arith.constant 0 : i32
        %dma_start3A_150 = tpu.memref_slice %arg12[%dma_start3A_148, %dma_start3A_149] : memref<10112x128xf32, #tpu.memory_space<vmem_shared>> -> memref<10112x128xf32, #tpu.memory_space<vmem_shared>>
        tpu.enqueue_indirect_dma source(%arg10 : memref<64x128xf32, #tpu.memory_space<vmem>>) target(%dma_start3A_150 : memref<10112x128xf32, #tpu.memory_space<vmem_shared>>) offsets(%dma_start3A_147 : memref<64xi32, #tpu.memory_space<vmem>>) semaphore(%arg19 : memref<!tpu.dma_semaphore, #tpu.memory_space<semaphore_mem>>) {add = true}
        %dma_wait3A_151 = arith.constant 0 : i32
        %dma_wait3A_152 = tpu.memref_slice %arg6[%add3A_96, %dma_wait3A_151] : memref<32x64xi32, #tpu.memory_space<vmem>> -> memref<1x64xi32, #tpu.memory_space<vmem>>
        %dma_wait3A_153 = tpu.memref_squeeze %dma_wait3A_152 : memref<1x64xi32, #tpu.memory_space<vmem>> -> memref<64xi32, #tpu.memory_space<vmem>>
        %dma_wait3A_154 = arith.constant 0 : i32
        %dma_wait3A_155 = arith.constant 0 : i32
        %dma_wait3A_156 = tpu.memref_slice %arg2[%dma_wait3A_154, %dma_wait3A_155] : memref<10112x128xf32, #tpu.memory_space<hbm>> -> memref<10112x128xf32, #tpu.memory_space<hbm>>
        tpu.wait_indirect_dma semaphore(%arg16 : memref<!tpu.dma_semaphore, #tpu.memory_space<semaphore_mem>>) src(%dma_wait3A_156 : memref<10112x128xf32, #tpu.memory_space<hbm>>) dst(%arg11 : memref<64x128xf32, #tpu.memory_space<vmem>>)
        %mul3A_157 = arith.constant 4 : i32
        %mul3A_158 = arith.muli %add3A_59, %mul3A_157 : i32
        %add3A_159 = arith.constant 3 : i32
        %add3A_160 = arith.addi %mul3A_158, %add3A_159 : i32
        %dma_start3A_161 = arith.constant 0 : i32
        %dma_start3A_162 = tpu.memref_slice %arg7[%add3A_160, %dma_start3A_161] : memref<32x64xi32, #tpu.memory_space<vmem>> -> memref<1x64xi32, #tpu.memory_space<vmem>>
        %dma_start3A_163 = tpu.memref_squeeze %dma_start3A_162 : memref<1x64xi32, #tpu.memory_space<vmem>> -> memref<64xi32, #tpu.memory_space<vmem>>
        %dma_start3A_164 = arith.constant 0 : i32
        %dma_start3A_165 = arith.constant 0 : i32
        %dma_start3A_166 = tpu.memref_slice %arg12[%dma_start3A_164, %dma_start3A_165] : memref<10112x128xf32, #tpu.memory_space<vmem_shared>> -> memref<10112x128xf32, #tpu.memory_space<vmem_shared>>
        tpu.enqueue_indirect_dma source(%arg11 : memref<64x128xf32, #tpu.memory_space<vmem>>) target(%dma_start3A_166 : memref<10112x128xf32, #tpu.memory_space<vmem_shared>>) offsets(%dma_start3A_163 : memref<64xi32, #tpu.memory_space<vmem>>) semaphore(%arg20 : memref<!tpu.dma_semaphore, #tpu.memory_space<semaphore_mem>>) {add = true}
      }
      %scan3A_54 = arith.constant 8 : i32
    }
    %scan3A_6 = arith.constant 5 : i32
    %dma_wait3A = arith.constant 0 : i32
    %dma_wait3A_7 = arith.constant 0 : i32
    %dma_wait3A_8 = tpu.memref_slice %arg2[%dma_wait3A, %dma_wait3A_7] : memref<10112x128xf32, #tpu.memory_space<hbm>> -> memref<64x128xf32, #tpu.memory_space<hbm>>
    %dma_wait3A_9 = arith.constant 0 : i32
    %dma_wait3A_10 = arith.constant 0 : i32
    %dma_wait3A_11 = tpu.memref_slice %arg2[%dma_wait3A_9, %dma_wait3A_10] : memref<10112x128xf32, #tpu.memory_space<hbm>> -> memref<64x128xf32, #tpu.memory_space<hbm>>
    tpu.wait_dma2 semaphore(%arg17 : memref<!tpu.dma_semaphore, #tpu.memory_space<semaphore_mem>>) src(%dma_wait3A_11 : memref<64x128xf32, #tpu.memory_space<hbm>>) dst(%arg8 : memref<64x128xf32, #tpu.memory_space<vmem>>)
    %dma_wait3A_12 = arith.constant 0 : i32
    %dma_wait3A_13 = arith.constant 0 : i32
    %dma_wait3A_14 = tpu.memref_slice %arg2[%dma_wait3A_12, %dma_wait3A_13] : memref<10112x128xf32, #tpu.memory_space<hbm>> -> memref<64x128xf32, #tpu.memory_space<hbm>>
    %dma_wait3A_15 = arith.constant 0 : i32
    %dma_wait3A_16 = arith.constant 0 : i32
    %dma_wait3A_17 = tpu.memref_slice %arg2[%dma_wait3A_15, %dma_wait3A_16] : memref<10112x128xf32, #tpu.memory_space<hbm>> -> memref<64x128xf32, #tpu.memory_space<hbm>>
    tpu.wait_dma2 semaphore(%arg18 : memref<!tpu.dma_semaphore, #tpu.memory_space<semaphore_mem>>) src(%dma_wait3A_17 : memref<64x128xf32, #tpu.memory_space<hbm>>) dst(%arg9 : memref<64x128xf32, #tpu.memory_space<vmem>>)
    %dma_wait3A_18 = arith.constant 0 : i32
    %dma_wait3A_19 = arith.constant 0 : i32
    %dma_wait3A_20 = tpu.memref_slice %arg2[%dma_wait3A_18, %dma_wait3A_19] : memref<10112x128xf32, #tpu.memory_space<hbm>> -> memref<64x128xf32, #tpu.memory_space<hbm>>
    %dma_wait3A_21 = arith.constant 0 : i32
    %dma_wait3A_22 = arith.constant 0 : i32
    %dma_wait3A_23 = tpu.memref_slice %arg2[%dma_wait3A_21, %dma_wait3A_22] : memref<10112x128xf32, #tpu.memory_space<hbm>> -> memref<64x128xf32, #tpu.memory_space<hbm>>
    tpu.wait_dma2 semaphore(%arg19 : memref<!tpu.dma_semaphore, #tpu.memory_space<semaphore_mem>>) src(%dma_wait3A_23 : memref<64x128xf32, #tpu.memory_space<hbm>>) dst(%arg10 : memref<64x128xf32, #tpu.memory_space<vmem>>)
    %dma_wait3A_24 = arith.constant 0 : i32
    %dma_wait3A_25 = arith.constant 0 : i32
    %dma_wait3A_26 = tpu.memref_slice %arg2[%dma_wait3A_24, %dma_wait3A_25] : memref<10112x128xf32, #tpu.memory_space<hbm>> -> memref<64x128xf32, #tpu.memory_space<hbm>>
    %dma_wait3A_27 = arith.constant 0 : i32
    %dma_wait3A_28 = arith.constant 0 : i32
    %dma_wait3A_29 = tpu.memref_slice %arg2[%dma_wait3A_27, %dma_wait3A_28] : memref<10112x128xf32, #tpu.memory_space<hbm>> -> memref<64x128xf32, #tpu.memory_space<hbm>>
    tpu.wait_dma2 semaphore(%arg20 : memref<!tpu.dma_semaphore, #tpu.memory_space<semaphore_mem>>) src(%dma_wait3A_29 : memref<64x128xf32, #tpu.memory_space<hbm>>) dst(%arg11 : memref<64x128xf32, #tpu.memory_space<vmem>>)
    %barrier3A_30 = arith.constant 0 : index
    tpu.barrier barrier_id(%barrier3A_30)
    %mul3A_31 = arith.constant 632 : i32
    %mul3A_32 = arith.muli %arg1, %mul3A_31 : i32
    %mul3A_33 = arith.constant 10112 : i32
    %mul3A_34 = arith.muli %arg0, %mul3A_33 : i32
    %mul3A_35 = arith.constant 632 : i32
    %mul3A_36 = arith.muli %arg1, %mul3A_35 : i32
    %add3A = arith.addi %mul3A_34, %mul3A_36 : i32
    "tpu.region"() ({
      %run_scoped3A = tpu.sem_alloc : memref<!tpu.dma_semaphore, #tpu.memory_space<semaphore_mem>>
      %dma_start3A = arith.constant 0 : i32
      %dma_start3A_37 = tpu.memref_slice %arg5[%add3A, %dma_start3A] : memref<20224x128xf32, #tpu.memory_space<hbm>> -> memref<632x128xf32, #tpu.memory_space<hbm>>
      %dma_start3A_38 = arith.constant 0 : i32
      %dma_start3A_39 = tpu.memref_slice %arg12[%mul3A_32, %dma_start3A_38] : memref<10112x128xf32, #tpu.memory_space<vmem_shared>> -> memref<632x128xf32, #tpu.memory_space<vmem_shared>>
      tpu.enqueue_dma source(%dma_start3A_39 : memref<632x128xf32, #tpu.memory_space<vmem_shared>>) target(%dma_start3A_37 : memref<632x128xf32, #tpu.memory_space<hbm>>) target_semaphore(%run_scoped3A : memref<!tpu.dma_semaphore, #tpu.memory_space<semaphore_mem>>)
      %dma_wait3A_40 = arith.constant 0 : i32
      %dma_wait3A_41 = tpu.memref_slice %arg5[%add3A, %dma_wait3A_40] : memref<20224x128xf32, #tpu.memory_space<hbm>> -> memref<632x128xf32, #tpu.memory_space<hbm>>
      %dma_wait3A_42 = arith.constant 0 : i32
      %dma_wait3A_43 = tpu.memref_slice %arg12[%mul3A_32, %dma_wait3A_42] : memref<10112x128xf32, #tpu.memory_space<vmem_shared>> -> memref<632x128xf32, #tpu.memory_space<vmem_shared>>
      tpu.wait_dma2 semaphore(%run_scoped3A : memref<!tpu.dma_semaphore, #tpu.memory_space<semaphore_mem>>) src(%dma_wait3A_43 : memref<632x128xf32, #tpu.memory_space<vmem_shared>>) dst(%dma_wait3A_41 : memref<632x128xf32, #tpu.memory_space<hbm>>)
      tpu.yield
    }) : () -> ()
    return
  }
}

module attributes {stable_mosaic.version = 14 : i64} {
  func.func @_tc1_body(%arg0: i32, %arg1: memref<1264x16xf32, #tpu.memory_space<vmem>>, %arg2: memref<1264x16xf32, #tpu.memory_space<vmem>>, %arg3: memref<1264x128xf32, #tpu.memory_space<vmem>>, %arg4: memref<1264x128xf32, #tpu.memory_space<vmem>>, %arg5: memref<1264x1xf32, #tpu.memory_space<vmem>>) attributes {dimension_semantics = [#tpu.dimension_semantics<arbitrary>], iteration_bounds = array<i64: 8>, scalar_prefetch = 0 : i64, scratch_operands = 0 : i64, tpu.core_type = #tpu.core_type<tc>, window_params = [{transform_indices = @transform_0, window_bounds = array<i64: 1264, 16>}, {transform_indices = @transform_1, window_bounds = array<i64: 1264, 16>}, {transform_indices = @transform_2, window_bounds = array<i64: 1264, 128>}, {transform_indices = @transform_3, window_bounds = array<i64: 1264, 128>}, {transform_indices = @transform_4, window_bounds = array<i64: 1264, 1>}]} {
    %get3A = arith.constant 0 : index
    %get3A_0 = arith.constant 0 : index
    %get3A_1 = vector.load %arg1[%get3A, %get3A_0] : memref<1264x16xf32, #tpu.memory_space<vmem>>, vector<1264x1xf32>
    %get3A_2 = arith.constant 0 : index
    %get3A_3 = arith.constant 0 : index
    %get3A_4 = vector.load %arg2[%get3A_2, %get3A_3] : memref<1264x16xf32, #tpu.memory_space<vmem>>, vector<1264x1xf32>
    %add3A = arith.addf %get3A_1, %get3A_4 : vector<1264x1xf32>
    %sub3A = arith.constant 1.000000e+00 : f32
    %sub3A_5 = vector.broadcast %sub3A : f32 to vector<1264x1xf32>
    %sub3A_6 = arith.subf %add3A, %sub3A_5 : vector<1264x1xf32>
    %rsqrt3A = math.rsqrt %sub3A_6 : vector<1264x1xf32>
    %get3A_7 = arith.constant 0 : index
    %get3A_8 = arith.constant 0 : index
    %get3A_9 = vector.load %arg3[%get3A_7, %get3A_8] : memref<1264x128xf32, #tpu.memory_space<vmem>>, vector<1264x128xf32>
    %mul3A = vector.broadcast %rsqrt3A : vector<1264x1xf32> to vector<1264x128xf32>
    %mul3A_10 = arith.mulf %get3A_9, %mul3A : vector<1264x128xf32>
    %swap3A = arith.constant 0 : index
    %swap3A_11 = arith.constant 0 : index
    %swap3A_12 = vector.load %arg4[%swap3A, %swap3A_11] : memref<1264x128xf32, #tpu.memory_space<vmem>>, vector<1264x128xf32>
    tpu.vector_store %arg4[%swap3A, %swap3A_11], %mul3A_10 {strides = array<i32>} : memref<1264x128xf32, #tpu.memory_space<vmem>>, vector<1264x128xf32>,
    %swap3A_13 = arith.constant 0 : index
    %swap3A_14 = arith.constant 0 : index
    %swap3A_15 = vector.load %arg5[%swap3A_13, %swap3A_14] : memref<1264x1xf32, #tpu.memory_space<vmem>>, vector<1264x1xf32>
    tpu.vector_store %arg5[%swap3A_13, %swap3A_14], %rsqrt3A {strides = array<i32>} : memref<1264x1xf32, #tpu.memory_space<vmem>>, vector<1264x1xf32>,
    return
  }
  func.func @transform_0(%arg0: i32) -> (i32, i32) {
    %c0_i32 = arith.constant 0 : i32
    %c0_i32_0 = arith.constant 0 : i32
    return %arg0, %c0_i32 : i32, i32
  }
  func.func @transform_1(%arg0: i32) -> (i32, i32) {
    %c0_i32 = arith.constant 0 : i32
    %c0_i32_0 = arith.constant 0 : i32
    return %arg0, %c0_i32 : i32, i32
  }
  func.func @transform_2(%arg0: i32) -> (i32, i32) {
    %c0_i32 = arith.constant 0 : i32
    %c0_i32_0 = arith.constant 0 : i32
    return %arg0, %c0_i32 : i32, i32
  }
  func.func @transform_3(%arg0: i32) -> (i32, i32) {
    %c0_i32 = arith.constant 0 : i32
    %c0_i32_0 = arith.constant 0 : i32
    return %arg0, %c0_i32 : i32, i32
  }
  func.func @transform_4(%arg0: i32) -> (i32, i32) {
    %c0_i32 = arith.constant 0 : i32
    %c0_i32_0 = arith.constant 0 : i32
    return %arg0, %c0_i32 : i32, i32
  }
}

module attributes {stable_mosaic.version = 14 : i64} {
  func.func @_tc2_body(%arg0: i32, %arg1: memref<1264x128xf32, #tpu.memory_space<vmem>>, %arg2: memref<1264x128xf32, #tpu.memory_space<vmem>>, %arg3: memref<1264x128xf32, #tpu.memory_space<vmem>>, %arg4: memref<1264x1xf32, #tpu.memory_space<vmem>>, %arg5: memref<1x256xf32, #tpu.memory_space<vmem>>, %arg6: memref<128x256xf32, #tpu.memory_space<vmem>>, %arg7: memref<256x64xf32, #tpu.memory_space<vmem>>, %arg8: memref<1264x128xf32, #tpu.memory_space<vmem>>) attributes {dimension_semantics = [#tpu.dimension_semantics<arbitrary>], iteration_bounds = array<i64: 8>, scalar_prefetch = 0 : i64, scratch_operands = 0 : i64, tpu.core_type = #tpu.core_type<tc>, window_params = [{transform_indices = @transform_0, window_bounds = array<i64: 1264, 128>}, {transform_indices = @transform_1, window_bounds = array<i64: 1264, 128>}, {transform_indices = @transform_2, window_bounds = array<i64: 1264, 128>}, {transform_indices = @transform_3, window_bounds = array<i64: 1264, 1>}, {pipeline_mode = #tpu.pipeline_mode<synchronous>, transform_indices = @transform_4, window_bounds = array<i64: 1, 256>}, {pipeline_mode = #tpu.pipeline_mode<synchronous>, transform_indices = @transform_5, window_bounds = array<i64: 128, 256>}, {pipeline_mode = #tpu.pipeline_mode<synchronous>, transform_indices = @transform_6, window_bounds = array<i64: 256, 64>}, {transform_indices = @transform_7, window_bounds = array<i64: 1264, 128>}]} {
    %get3A = arith.constant 0 : index
    %get3A_0 = arith.constant 0 : index
    %get3A_1 = vector.load %arg4[%get3A, %get3A_0] : memref<1264x1xf32, #tpu.memory_space<vmem>>, vector<1264x1xf32>
    %get3A_2 = arith.constant 0 : index
    %get3A_3 = arith.constant 0 : index
    %get3A_4 = vector.load %arg1[%get3A_2, %get3A_3] : memref<1264x128xf32, #tpu.memory_space<vmem>>, vector<1264x128xf32>
    %get3A_5 = arith.constant 0 : index
    %get3A_6 = arith.constant 0 : index
    %get3A_7 = vector.load %arg2[%get3A_5, %get3A_6] : memref<1264x128xf32, #tpu.memory_space<vmem>>, vector<1264x128xf32>
    %add3A = arith.addf %get3A_4, %get3A_7 : vector<1264x128xf32>
    %get3A_8 = arith.constant 0 : index
    %get3A_9 = arith.constant 0 : index
    %get3A_10 = vector.load %arg3[%get3A_8, %get3A_9] : memref<1264x128xf32, #tpu.memory_space<vmem>>, vector<1264x128xf32>
    %sub3A = arith.subf %add3A, %get3A_10 : vector<1264x128xf32>
    %mul3A = vector.broadcast %get3A_1 : vector<1264x1xf32> to vector<1264x128xf32>
    %mul3A_11 = arith.mulf %sub3A, %mul3A : vector<1264x128xf32>
    %get3A_12 = arith.constant 0 : index
    %get3A_13 = arith.constant 0 : index
    %get3A_14 = vector.load %arg6[%get3A_12, %get3A_13] : memref<128x256xf32, #tpu.memory_space<vmem>>, vector<128x256xf32>
    %dot_general3A = arith.constant dense<0.000000e+00> : vector<1264x256xf32>
    %dot_general3A_15 = tpu.matmul %mul3A_11, %get3A_14, %dot_general3A {dimension_numbers = #tpu.dot_dimension_numbers<[1], [0], [0], [1], [0, 0, 1, 1], [], []>, precision = #tpu.contract_precision<fp32>, transpose_lhs_hint = false} : vector<1264x128xf32>, vector<128x256xf32>, vector<1264x256xf32> -> vector<1264x256xf32>
    %get3A_16 = arith.constant 0 : index
    %get3A_17 = arith.constant 0 : index
    %get3A_18 = vector.load %arg5[%get3A_16, %get3A_17] : memref<1x256xf32, #tpu.memory_space<vmem>>, vector<1x256xf32>
    %add3A_19 = vector.broadcast %get3A_18 : vector<1x256xf32> to vector<1264x256xf32>
    %add3A_20 = arith.addf %dot_general3A_15, %add3A_19 : vector<1264x256xf32>
    %max3A = arith.constant 0.000000e+00 : f32
    %max3A_21 = vector.broadcast %max3A : f32 to vector<1264x256xf32>
    %max3A_22 = arith.maximumf %add3A_20, %max3A_21 : vector<1264x256xf32>
    %get3A_23 = arith.constant 0 : index
    %get3A_24 = arith.constant 0 : index
    %get3A_25 = vector.load %arg7[%get3A_23, %get3A_24] : memref<256x64xf32, #tpu.memory_space<vmem>>, vector<256x64xf32>
    %dot_general3A_26 = arith.constant dense<0.000000e+00> : vector<1264x64xf32>
    %dot_general3A_27 = tpu.matmul %max3A_22, %get3A_25, %dot_general3A_26 {dimension_numbers = #tpu.dot_dimension_numbers<[1], [0], [0], [1], [0, 0, 1, 1], [], []>, precision = #tpu.contract_precision<fp32>, transpose_lhs_hint = false} : vector<1264x256xf32>, vector<256x64xf32>, vector<1264x64xf32> -> vector<1264x64xf32>
    %mul3A_28 = vector.broadcast %get3A_1 : vector<1264x1xf32> to vector<1264x64xf32>
    %mul3A_29 = arith.mulf %dot_general3A_27, %mul3A_28 : vector<1264x64xf32>
    %broadcast_in_dim3A = arith.constant 0.000000e+00 : f32
    %broadcast_in_dim3A_30 = vector.broadcast %broadcast_in_dim3A : f32 to vector<1264x64xf32>
    %concatenate3A = tpu.concatenate %mul3A_29, %broadcast_in_dim3A_30 in 1 : vector<1264x64xf32>, vector<1264x64xf32> -> vector<1264x128xf32>
    %swap3A = arith.constant 0 : index
    %swap3A_31 = arith.constant 0 : index
    %swap3A_32 = vector.load %arg8[%swap3A, %swap3A_31] : memref<1264x128xf32, #tpu.memory_space<vmem>>, vector<1264x128xf32>
    tpu.vector_store %arg8[%swap3A, %swap3A_31], %concatenate3A {strides = array<i32>} : memref<1264x128xf32, #tpu.memory_space<vmem>>, vector<1264x128xf32>,
    return
  }
  func.func @transform_0(%arg0: i32) -> (i32, i32) {
    %c0_i32 = arith.constant 0 : i32
    %c0_i32_0 = arith.constant 0 : i32
    return %arg0, %c0_i32 : i32, i32
  }
  func.func @transform_1(%arg0: i32) -> (i32, i32) {
    %c0_i32 = arith.constant 0 : i32
    %c0_i32_0 = arith.constant 0 : i32
    return %arg0, %c0_i32 : i32, i32
  }
  func.func @transform_2(%arg0: i32) -> (i32, i32) {
    %c0_i32 = arith.constant 0 : i32
    %c0_i32_0 = arith.constant 0 : i32
    return %arg0, %c0_i32 : i32, i32
  }
  func.func @transform_3(%arg0: i32) -> (i32, i32) {
    %c0_i32 = arith.constant 0 : i32
    %c0_i32_0 = arith.constant 0 : i32
    return %arg0, %c0_i32 : i32, i32
  }
  func.func @transform_4(%arg0: i32) -> (i32, i32) {
    %c0_i32 = arith.constant 0 : i32
    %c0_i32_0 = arith.constant 0 : i32
    %c0_i32_1 = arith.constant 0 : i32
    return %c0_i32, %c0_i32_0 : i32, i32
  }
  func.func @transform_5(%arg0: i32) -> (i32, i32) {
    %c0_i32 = arith.constant 0 : i32
    %c0_i32_0 = arith.constant 0 : i32
    %c0_i32_1 = arith.constant 0 : i32
    return %c0_i32, %c0_i32_0 : i32, i32
  }
  func.func @transform_6(%arg0: i32) -> (i32, i32) {
    %c0_i32 = arith.constant 0 : i32
    %c0_i32_0 = arith.constant 0 : i32
    %c0_i32_1 = arith.constant 0 : i32
    return %c0_i32, %c0_i32_0 : i32, i32
  }
  func.func @transform_7(%arg0: i32) -> (i32, i32) {
    %c0_i32 = arith.constant 0 : i32
    %c0_i32_0 = arith.constant 0 : i32
    return %arg0, %c0_i32 : i32, i32
  }
}

module attributes {stable_mosaic.version = 14 : i64} {
  func.func @_tc3_body(%arg0: i32, %arg1: memref<1264x128xf32, #tpu.memory_space<vmem>>, %arg2: memref<1264x128xf32, #tpu.memory_space<vmem>>, %arg3: memref<1264x128xf32, #tpu.memory_space<vmem>>, %arg4: memref<1264x1xf32, #tpu.memory_space<vmem>>, %arg5: memref<1x64xf32, #tpu.memory_space<vmem>>, %arg6: memref<1264x64xf32, #tpu.memory_space<vmem>>) attributes {dimension_semantics = [#tpu.dimension_semantics<arbitrary>], iteration_bounds = array<i64: 8>, scalar_prefetch = 0 : i64, scratch_operands = 0 : i64, tpu.core_type = #tpu.core_type<tc>, window_params = [{transform_indices = @transform_0, window_bounds = array<i64: 1264, 128>}, {transform_indices = @transform_1, window_bounds = array<i64: 1264, 128>}, {transform_indices = @transform_2, window_bounds = array<i64: 1264, 128>}, {transform_indices = @transform_3, window_bounds = array<i64: 1264, 1>}, {pipeline_mode = #tpu.pipeline_mode<synchronous>, transform_indices = @transform_4, window_bounds = array<i64: 1, 64>}, {transform_indices = @transform_5, window_bounds = array<i64: 1264, 64>}]} {
    %get3A = arith.constant 0 : index
    %get3A_0 = arith.constant 0 : index
    %get3A_1 = vector.load %arg1[%get3A, %get3A_0] : memref<1264x128xf32, #tpu.memory_space<vmem>>, vector<1264x64xf32>
    %get3A_2 = arith.constant 0 : index
    %get3A_3 = arith.constant 0 : index
    %get3A_4 = vector.load %arg2[%get3A_2, %get3A_3] : memref<1264x128xf32, #tpu.memory_space<vmem>>, vector<1264x64xf32>
    %add3A = arith.addf %get3A_1, %get3A_4 : vector<1264x64xf32>
    %get3A_5 = arith.constant 0 : index
    %get3A_6 = arith.constant 0 : index
    %get3A_7 = vector.load %arg3[%get3A_5, %get3A_6] : memref<1264x128xf32, #tpu.memory_space<vmem>>, vector<1264x64xf32>
    %sub3A = arith.subf %add3A, %get3A_7 : vector<1264x64xf32>
    %get3A_8 = arith.constant 0 : index
    %get3A_9 = arith.constant 0 : index
    %get3A_10 = vector.load %arg4[%get3A_8, %get3A_9] : memref<1264x1xf32, #tpu.memory_space<vmem>>, vector<1264x1xf32>
    %mul3A = vector.broadcast %get3A_10 : vector<1264x1xf32> to vector<1264x64xf32>
    %mul3A_11 = arith.mulf %sub3A, %mul3A : vector<1264x64xf32>
    %get3A_12 = arith.constant 0 : index
    %get3A_13 = arith.constant 0 : index
    %get3A_14 = vector.load %arg5[%get3A_12, %get3A_13] : memref<1x64xf32, #tpu.memory_space<vmem>>, vector<1x64xf32>
    %add3A_15 = vector.broadcast %get3A_14 : vector<1x64xf32> to vector<1264x64xf32>
    %add3A_16 = arith.addf %mul3A_11, %add3A_15 : vector<1264x64xf32>
    %reduce_max3A = arith.constant dense<0xFF800000> : vector<1264xf32>
    %reduce_max3A_17 = vector.multi_reduction <maximumf>, %add3A_16, %reduce_max3A [1] : vector<1264x64xf32> to vector<1264xf32>
    %broadcast_in_dim3A = vector.shape_cast %reduce_max3A_17 : vector<1264xf32> to vector<1264x1xf32>
    %sub3A_18 = vector.broadcast %broadcast_in_dim3A : vector<1264x1xf32> to vector<1264x64xf32>
    %sub3A_19 = arith.subf %add3A_16, %sub3A_18 : vector<1264x64xf32>
    %exp3A = math.exp %sub3A_19 : vector<1264x64xf32>
    %reduce_sum3A = arith.constant dense<0.000000e+00> : vector<1264xf32>
    %reduce_sum3A_20 = vector.multi_reduction <add>, %exp3A, %reduce_sum3A [1] : vector<1264x64xf32> to vector<1264xf32>
    %broadcast_in_dim3A_21 = vector.shape_cast %reduce_sum3A_20 : vector<1264xf32> to vector<1264x1xf32>
    %log3A = math.log %broadcast_in_dim3A_21 : vector<1264x1xf32>
    %add3A_22 = arith.addf %log3A, %broadcast_in_dim3A : vector<1264x1xf32>
    %sub3A_23 = vector.broadcast %add3A_22 : vector<1264x1xf32> to vector<1264x64xf32>
    %sub3A_24 = arith.subf %add3A_16, %sub3A_23 : vector<1264x64xf32>
    %swap3A = arith.constant 0 : index
    %swap3A_25 = arith.constant 0 : index
    %swap3A_26 = vector.load %arg6[%swap3A, %swap3A_25] : memref<1264x64xf32, #tpu.memory_space<vmem>>, vector<1264x64xf32>
    tpu.vector_store %arg6[%swap3A, %swap3A_25], %sub3A_24 {strides = array<i32>} : memref<1264x64xf32, #tpu.memory_space<vmem>>, vector<1264x64xf32>,
    return
  }
  func.func @transform_0(%arg0: i32) -> (i32, i32) {
    %c0_i32 = arith.constant 0 : i32
    %c0_i32_0 = arith.constant 0 : i32
    return %arg0, %c0_i32 : i32, i32
  }
  func.func @transform_1(%arg0: i32) -> (i32, i32) {
    %c0_i32 = arith.constant 0 : i32
    %c0_i32_0 = arith.constant 0 : i32
    return %arg0, %c0_i32 : i32, i32
  }
  func.func @transform_2(%arg0: i32) -> (i32, i32) {
    %c0_i32 = arith.constant 0 : i32
    %c0_i32_0 = arith.constant 0 : i32
    return %arg0, %c0_i32 : i32, i32
  }
  func.func @transform_3(%arg0: i32) -> (i32, i32) {
    %c0_i32 = arith.constant 0 : i32
    %c0_i32_0 = arith.constant 0 : i32
    return %arg0, %c0_i32 : i32, i32
  }
  func.func @transform_4(%arg0: i32) -> (i32, i32) {
    %c0_i32 = arith.constant 0 : i32
    %c0_i32_0 = arith.constant 0 : i32
    %c0_i32_1 = arith.constant 0 : i32
    return %c0_i32, %c0_i32_0 : i32, i32
  }
  func.func @transform_5(%arg0: i32) -> (i32, i32) {
    %c0_i32 = arith.constant 0 : i32
    %c0_i32_0 = arith.constant 0 : i32
    return %arg0, %c0_i32 : i32, i32
  }
}

</mosaic_0001>

<sc_bundles>
// kernel: kernel.11.cloned.1.call-start
scs
__scs_entry_jumppad:
0x0: {  	(pc) =	sbr.rel $0x88, $3  }
0x1: {  	(tag) =	ssettag $0x0;
	lr =	simm.s32 $0x1  }
0x2: {  	[smem:$0x3F9B] =	sst lr;
	_ =	strace $0xD0000000  }
0x3: {  	_ = 	snop  }
0x4: {  	_ = 	snop  }
0x5: {  	_ = 	snop  }
0x6: {  	_ = 	snop  }
0x7: {  	_ = 	snop  }
__scs_overlays_trampoline_lowered:
0x8: {  	[smem:$0x3FAA] =	sst s0  }
0x9: {  	[smem:$0x3FAB] =	sst s1  }
0xa: {  	[smem:$0x3FAC] =	sst s2  }
0xb: {  	[smem:$0x3FAD] =	sst s3  }
0xc: {  	[smem:$0x3FAE] =	sst s4  }
0xd: {  	[smem:$0x3FAF] =	sst s5  }
0xe: {  	[smem:$0x3FB0] =	sst s6  }
0xf: {  	[smem:$0x3FB1] =	sst s7  }
0x10: {  	[smem:$0x3FB2] =	sst s8  }
0x11: {  	[smem:$0x3FB3] =	sst s9;
	s0 =	simm.s32 @!p0 $0x0  }
0x12: {  	s1 =	sld [smem:$0x3F99];
	s0 =	simm.s32 @p0 $0x1  }
0x13: {  	[smem:$0x3FB4] =	sst s0;
	s0 =	simm.s32 @!p1 $0x0  }
0x14: {  	s2 =	sld [smem:$0x3F98];
	s0 =	simm.s32 @p1 $0x1  }
0x15: {  	[smem:$0x3FB5] =	sst s0;
	s0 =	simm.s32 @!p2 $0x0  }
0x16: {  	s3 =	sld [smem:$0x3FDB];
	s0 =	simm.s32 @p2 $0x1  }
0x17: {  	s4 =	simm.s32 $0x1BF5;
	[smem:$0x3FB7] =	sst s0  }
0x18: {  	s0 =	sld [smem:$0x3F9A];
	_ =	swait.ge [sflag:s4], $0x0  }
0x19: {  	s7 =	sld [smem:$0x3F9B]  }
0x1a: {  	s8 =	sadd.s32 $0xFFFFE003, lr  }
0x1b: {  	s9 =	sadd.s32 $0xFFFFFEF7, lr;
	s5 =	simm.s32 $0xFFFFFFFF;
	p2 =	slt.u32 s8, $0xFFFFF086  }
0x1c: {  	p1 =	slt.u32 s9, $0xF7A;
	s5 =	simm.s32 @!p2 $0x0  }
0x1d: {  	s5 =	simm.s32 @p1 $0x1;
	p0 =	seq.s32 s7, s2  }
0x1e: {  	s7 =	smul.u32 @!p0 $0xF7A, s2;
	p2 =	seq.s32 @!p0 s5, $0x0  }
0x1f: {  	s9 =	smul.u32 $0xF7A, s1;
	s8 =	simm.s32 @!p0 $0x1BF5;
	p2 =	por !p2, p0  }
0x20: {  	[sflag:s8] =	ssyncset.s32 @!p0 $0xFFFFF086;
	s6 =	sadd.s32 @!p0 s3, s7;
	s7 =	simm.s32 @!p0 $0x108  }
0x21: {  	s3 =	sadd.s32 s3, s9;
	s6 =	sadd.s32 @!p0 $0x88, s6;
	s7 =	simm.s32 @p2 $0x1082  }
0x22: {  	[simem:s7], [sflag:s8] =	dma.local @!p0 [hbm:s6], $0xF7A  }
0x23: {  	s9 =	sor.u32 $0xD0000000, s2;
	s6 =	simm.s32 $0x108;
	_ =	swait.ge @!p0 [sflag:s8], $0x0  }
0x24: {  	s3 =	sadd.s32 $0x88, s3;
	s6 =	simm.s32 @!p1 $0x1082;
	[sflag:s4] =	ssyncset.s32 $0xFFFFF086  }
0x25: {  	[simem:s6], [sflag:s4] =	dma.local [hbm:s3], $0xF7A  }
0x26: {  	[smem:$0x3F9B] =	sst s1;
	(tag) =	ssettag s2;
	_ =	strace s9  }
0x27: {  	s1 =	sld [smem:$0x3FAB]  }
0x28: {  	s2 =	sld [smem:$0x3FAC]  }
0x29: {  	s4 =	sld [smem:$0x3FAE]  }
0x2a: {  	p0 =	seq.s32 s5, $0x0;
	s5 =	sld [smem:$0x3FAF]  }
0x2b: {  	s6 =	sld [smem:$0x3FB0]  }
0x2c: {  	s7 =	sld [smem:$0x3FB1]  }
0x2d: {  	s3 =	simm.s32 $0x108;
	s8 =	sld [smem:$0x3FB2]  }
0x2e: {  	s3 =	simm.s32 @!p0 $0x1082;
	s9 =	sld [smem:$0x3FB3]  }
0x2f: {  	lr =	sadd.s32 s0, s3;
	s0 =	sld [smem:$0x3FAA]  }
0x30: {  	s3 =	sld [smem:$0x3FAD]  }
0x31: {  	[smem:$0x3FB6] =	sst s10  }
0x32: {  	s10 =	sld [smem:$0x3FB4];
	_ =	sdelay $0x3  }
0x33: {  	p0 =	seq.s32 s10, $0x1;
	s10 =	sld [smem:$0x3FB6];
	_ =	sdelay $0x3  }
0x34: {  	[smem:$0x3FB6] =	sst s10  }
0x35: {  	s10 =	sld [smem:$0x3FB5];
	_ =	sdelay $0x3  }
0x36: {  	p1 =	seq.s32 s10, $0x1;
	s10 =	sld [smem:$0x3FB6];
	_ =	sdelay $0x3  }
0x37: {  	[smem:$0x3FB6] =	sst s10  }
0x38: {  	s10 =	sld [smem:$0x3FB7]  }
0x39: {  	_ = 	snop;
	(pc) =	sbr.ind lr, $3  }
0x3a: {  	_ = 	snop  }
0x3b: {  	_ = 	snop  }
0x3c: {  	p2 =	seq.s32 s10, $0x1;
	s10 =	sld [smem:$0x3FB6]  }
0x3d: {  	_ =	shalt  }
0x3e: {  	_ =	shalt  }
0x3f: {  	_ =	shalt  }
0x40: {  	_ =	shalt  }
0x41: {  	_ =	shalt  }
0x42: {  	_ =	shalt  }
0x43: {  	_ =	shalt  }
0x44: {  	_ =	shalt  }
0x45: {  	_ =	shalt  }
0x46: {  	_ =	shalt  }
0x47: {  	_ =	shalt  }
0x48: {  	_ =	shalt  }
0x49: {  	_ =	shalt  }
0x4a: {  	_ =	shalt  }
0x4b: {  	_ =	shalt  }
0x4c: {  	_ =	shalt  }
0x4d: {  	_ =	shalt  }
0x4e: {  	_ =	shalt  }
0x4f: {  	_ =	shalt  }
0x50: {  	_ =	shalt  }
0x51: {  	_ =	shalt  }
0x52: {  	_ =	shalt  }
0x53: {  	_ =	shalt  }
0x54: {  	_ =	shalt  }
0x55: {  	_ =	shalt  }
0x56: {  	_ =	shalt  }
0x57: {  	_ =	shalt  }
0x58: {  	_ =	shalt  }
0x59: {  	_ =	shalt  }
0x5a: {  	_ =	shalt  }
0x5b: {  	_ =	shalt  }
0x5c: {  	_ =	shalt  }
0x5d: {  	_ =	shalt  }
0x5e: {  	_ =	shalt  }
0x5f: {  	_ =	shalt  }
0x60: {  	_ =	shalt  }
0x61: {  	_ =	shalt  }
0x62: {  	_ =	shalt  }
0x63: {  	_ =	shalt  }
0x64: {  	_ =	shalt  }
0x65: {  	_ =	shalt  }
0x66: {  	_ =	shalt  }
0x67: {  	_ =	shalt  }
0x68: {  	_ =	shalt  }
0x69: {  	_ =	shalt  }
0x6a: {  	_ =	shalt  }
0x6b: {  	_ =	shalt  }
0x6c: {  	_ =	shalt  }
0x6d: {  	_ =	shalt  }
0x6e: {  	_ =	shalt  }
0x6f: {  	_ =	shalt  }
0x70: {  	_ =	shalt  }
0x71: {  	_ =	shalt  }
0x72: {  	_ =	shalt  }
0x73: {  	_ =	shalt  }
0x74: {  	_ =	shalt  }
0x75: {  	_ =	shalt  }
0x76: {  	_ =	shalt  }
0x77: {  	_ =	shalt  }
0x78: {  	_ =	shalt  }
0x79: {  	_ =	shalt  }
0x7a: {  	_ =	shalt  }
0x7b: {  	_ =	shalt  }
0x7c: {  	_ =	shalt  }
0x7d: {  	_ =	shalt  }
0x7e: {  	_ =	shalt  }
0x7f: {  	_ =	shalt  }
0x80: {  	_ =	shalt  }
0x81: {  	_ =	shalt  }
0x82: {  	_ =	shalt  }
0x83: {  	_ =	shalt  }
0x84: {  	_ =	shalt  }
0x85: {  	_ =	shalt  }
0x86: {  	_ =	shalt  }
0x87: {  	_ =	shalt  }
.Lfunc_end0:
.L_simem_size_0:
called_computation.1_lowered:
.L_overlay_start_0:
0x88: {  	s2 =	sld [smem:$0x3FD9]  }
0x89: {  	s3 =	sld [smem:$0x3FFE];
	_ =	sdelay $0x1  }
0x8a: {  	s1 =	srdreg.scid  }
0x8b: {  	s0 =	sand.u32 $0x1, s1  }
0x8c: {  	s16 =	sshll.u32 s0, $0xA;
	s2 =	sadd.s32 s3, s2  }
0x8d: {  	s2 =	sadd.s32 s2, s16  }
0x8e: {  	[smem:$0x3FC2] =	sst s2  }
0x8f: {  	_ = 	snop  }
0x90: {  	(tm) =	ssettm $0x1  }
0x91: {  	s17 =	sld [smem:$0x3FFB];
	_ =	sdelay $0x3  }
0x92: {  	_ =	strace s17  }
0x93: {  	s2 =	sld [smem:$0x3FFC];
	_ =	sdelay $0x3  }
0x94: {  	_ =	strace s2  }
0x95: {  	s2 =	sld [smem:$0x3FFD];
	_ =	sdelay $0x3  }
0x96: {  	_ =	strace s2  }
0x97: {  	_ =	strace $0x8FFFFFFF  }
0x98: {  	s18 =	sld [smem:$0x3FDB];
	_ =	sdelay $0x1  }
0x99: {  	s19 =	simm.s32 $_scs_section_size  }
0x9a: {  	s4 =	simm.s32 $_size__tile_overlayer_lowered;
	s5 =	simm.s32 $_tile_overlayer_lowered  }
0x9b: {  	s22 =	simm.s32 $0x1BFF;
	s21 =	sshll.u32 s5, $0x1;
	s2 =	sadd.s32 s19, s18  }
0x9c: {  	s6 =	simm.s32 $0x0;
	s20 =	sshll.u32 s4, $0x1;
	s4 =	sadd.s32 s21, s2  }
0x9d: {  	[timem:s6], [sflag:s22] =	dma.local [hbm:s4], s20  }
0x9e: {  	_ =	swait.ge [sflag:s22], s20  }
0x9f: {  	s3 =	ssub.s32 $0x0, s20;
	[sflag:s22] =	ssyncset.done $0x0  }
0xa0: {  	[sflag:s22] =	ssyncadd.s32 s3;
	_ =	sdelay $0x1  }
0xa1: {  	s23 =	simm.s32 $0x1B8B  }
0xa2: {  	_ =	swait.ge [sflag:s23], $0x1  }
0xa3: {  	[sflag:s23] =	ssyncset.done $0x0  }
0xa4: {  	s25 =	simm.s32 $0x1B8E;
	s24 =	sld [smem:$0x3FFE];
	[sflag:s23] =	ssyncadd.s32 $0xFFFFFFFF  }
0xa5: {  	s26 =	simm.s32 $execute0_lowered;
	[smem:$0x3FD2] =	sst s25  }
0xa6: {  	s4 =	sshll.u32 s26, $0x1;
	_ =	strace $0x80000049;
	[dreg:$0x1] =	wrdreg $0xFFFFFFFF  }
0xa7: {  	s28 =	simm.s32 $_size_execute0_lowered;
	s2 =	sadd.s32 s2, s4;
	[dreg:$0x0] =	wrdreg $0x0  }
0xa8: {  	s4 =	sshll.u32 s28, $0x1;
	[dreg:$0x2] =	wrdreg s2  }
0xa9: {  	[dreg:$0x3] =	wrdreg s4  }
0xaa: {  	[dreg:$0x4] =	wrdreg $0xC0  }
0xab: {  	_ =	task [dreg:s6], $0x5FFFF  }
0xac: {  	[dreg:$0x1] =	wrdreg $0xFFFFFFFF  }
0xad: {  	[dreg:$0x0] =	wrdreg $0x60  }
0xae: {  	[dreg:$0x2] =	wrdreg s24  }
0xaf: {  	[dreg:$0x3] =	wrdreg $0xA0000  }
0xb0: {  	[dreg:$0x4] =	wrdreg $0x9  }
0xb1: {  	_ =	task.clear_ibuf [dreg:s6], $0x5FFFF;
	_ =	strace $0x90000049  }
0xb2: {  	s29 =	simm.s32 $0x9;
	_ =	strace $0x8000004B  }
0xb3: {  	_ =	swait.ge [sflag:s29], $0x1  }
0xb4: {  	[sflag:s29] =	ssyncadd.s32 $0xFFFFFFFF  }
0xb5: {  	_ =	strace $0x9000004B  }
0xb6: {  	_ =	sfence  }
0xb7: {  	s30 =	sld [smem:$0x0];
	_ =	sdelay $0x2  }
0xb8: {  	s31 =	sshll.u32 s1, $0xD;
	s1 =	sshrl.u32 s1, $0x2  }
0xb9: {  	s3 =	sand.u32 $0x4000, s31;
	s1 =	sadd.s32 s1, s30  }
0xba: {  	s0 =	sor.u32 s3, s0;
	s1 =	sshll.u32 s1, $0x11  }
0xbb: {  	s0 =	sor.u32 s1, s0  }
0xbc: {  	s0 =	sadd.s32 $0x8F2B, s0  }
0xbd: {  	[sflag:s0] =	ssyncadd.remote.s32 $0x1  }
0xbe: {  	_ =	sfence.sel $0xFFFF  }
0xbf: {  	[dreg:$0x0] =	wrdreg $0xFFFFFFFF;
	(pc) =	sbr.abs _section_cstart, $3  }
0xc0: {  	[dreg:$0x1] =	wrdreg $0xFFFFFFFF  }
0xc1: {  	_ =	task.clear_ibuf [dreg:s6], $0x2FFFF;
	_ =	strace $0x9FFFFFFF  }
0xc2: {  	(tm) =	ssettm $0x7FFFFFFF  }
0xc3: {  	_ =	shalt  }
tec
execute0_lowered:
.L_overlay_start_1:
0x0: {  	(tag) =	ssettag $0x1  }
0x1: {  	s0 =	rddreg [dreg:$0x0]  }
0x2: {  	s2 =	rddreg [dreg:$0x1]  }
0x3: {  	s1 =	srdreg.scid;
	s13 =	stileid.u32;
	s3 =	simm.s32 $0x0  }
0x4: {  	s14 =	simm.s32 $0x1000;
	s15 =	simm.s32 $0x40;
	s16 =	simm.s32 $0x2000  }
0x5: {  	s17 =	simm.s32 $0x4000;
	s18 =	simm.s32 $0x6000;
	s19 =	simm.s32 $0x8000  }
0x6: {  	s20 =	simm.s32 $0x1;
	s21 =	simm.s32 $0x2;
	s22 =	simm.s32 $0x3  }
0x7: {  	s23 =	simm.s32 $0x4;
	s24 =	simm.s32 $0x5;
	s25 =	simm.s32 $0x6  }
0x8: {  	s26 =	simm.s32 $0x7;
	s28 =	simm.s32 $0x8;
	s1 =	sand.u32 $0x1, s1  }
0x9: {  	s7 =	smul.u32 $0x2780, s13;
	[smem:$0x7FF] =	sst s3;
	s4 =	sadd.s32 $0x3000, s0  }
0xa: {  	s5 =	sadd.s32 $0x66000, s0;
	s10 =	smul.u32 $0x4F000, s13;
	s31 =	sshll.u32 s13, $0x6  }
0xb: {  	s6 =	smul.u32 $0x27800, s1;
	_ =	strace $0x8000004A;
	s9 =	ssub.s32 $0x2, s1  }
0xc: {  	s1 =	sshll.u32 s1, $0x4;
	s29 =	sshrl.u32 s9, $0x1;
	s30 =	sshrl.u32 s10, $0x2  }
0xd: {  	s1 =	sor.u32 s13, s1;
	s13 =	simm.s32 $0x9;
	s8 =	sadd.s32 s7, s6  }
0xe: {  	s6 =	sadd.s32 $0x52000, s0;
	s11 =	ssub.s32 s9, s29;
	s12 =	sadd.s32 s30, s2  }
0xf: {  	s7 =	sadd.s32 s4, s7;
	s9 =	smul.u32 $0x5000, s1;
	s0 =	sadd.s32 s8, s0  }
0x10: {  	[dreg:$0x3] =	wrdreg s7;
	s8 =	sor.u32 $0x1C09, s31;
	s0 =	sadd.s32 $0x7A000, s0  }
0x11: {  	s11 =	smax.u32 s11, $0x1;
	s12 =	sshrl.u32 s12, $0x3;
	[dreg:$0x4] =	wrdreg s0  }
.LBB2_1:
0x12: {  	s0 =	rddreg [dreg:$0x3]  }
0x13: {  	[spmem:s12], [sflag:s8] =	dma.local [hbm:s0], $0x2780  }
0x14: {  	_ =	swait.ge [sflag:s13], $0x2780  }
0x15: {  	[sflag:s13] =	ssyncset.done $0x0  }
0x16: {  	[sflag:s13] =	ssyncadd.s32 $0xFFFFD880  }
0x17: {  	s29 =	simm.s32 $0x0;
	[bflag:$0x0] =	sbarrier.arrive $0xFFFF  }
.LBB2_2:
0x18: {  	s0 =	sshll.u32 s29, $0xC  }
0x19: {  	s0 =	sadd.s32 s9, s0  }
0x1a: {  	s0 =	sshrl.u32 s0, $0x3  }
0x1b: {  	s30 =	simm.s32 $0x0;
	s1 =	sadd.s32 s5, s0  }
0x1c: {  	[tilespmem:s30], [sflag:$0x9] =	stream.linear.gather [hbm4b:s1+s30], $0x1000, $0x38;
	[tilespmem:$0x1DC00] =	vst v63  }
0x1d: {  	_ =	swait.ge [sflag:s13], $0x1000  }
0x1e: {  	[sflag:s13] =	ssyncset.done $0x0  }
0x1f: {  	s0 =	sadd.s32 s6, s0;
	[sflag:s13] =	ssyncadd.s32 $0xFFFFF000  }
0x20: {  	[tilespmem:s14], [sflag:$0x9] =	stream.linear.gather [hbm4b:s0+s30], $0x1000, $0x38;
	[tilespmem:$0x1DC00] =	vst v63  }
0x21: {  	s1 =	sor.u32 s29, s30;
	_ =	swait.ge [sflag:s13], $0x1000  }
0x22: {  	p0 =	seq.s32 s1, $0x0;
	[sflag:s13] =	ssyncset.done $0x0  }
0x23: {  	s0 =	simm.s32 @!p0 $0x5;
	[sflag:s13] =	ssyncadd.s32 $0xFFFFF000  }
0x24: {  	_ =	swait.ge @!p0 [sflag:s0], $0x2000  }
0x25: {  	[sflag:s0] =	ssyncset.done @!p0 $0x0  }
0x26: {  	[sflag:s0] =	ssyncadd.s32 @!p0 $0xFFFFE000;
	s0 =	simm.s32 @!p0 $0x6  }
0x27: {  	_ =	swait.ge @!p0 [sflag:s0], $0x2000  }
0x28: {  	[sflag:s0] =	ssyncset.done @!p0 $0x0  }
0x29: {  	[sflag:s0] =	ssyncadd.s32 @!p0 $0xFFFFE000;
	s0 =	simm.s32 @!p0 $0x7  }
0x2a: {  	_ =	swait.ge @!p0 [sflag:s0], $0x2000  }
0x2b: {  	[sflag:s0] =	ssyncset.done @!p0 $0x0  }
0x2c: {  	[sflag:s0] =	ssyncadd.s32 @!p0 $0xFFFFE000;
	s0 =	simm.s32 @!p0 $0x8  }
0x2d: {  	_ =	swait.ge @!p0 [sflag:s0], $0x2000  }
0x2e: {  	[sflag:s0] =	ssyncset.done @!p0 $0x0  }
0x2f: {  	s7 =	simm.s32 $0x0;
	[sflag:s0] =	ssyncadd.s32 @!p0 $0xFFFFE000  }
0x30: {  	[tilespmem:s16], [sflag:$0x1] =	stream.indirect.gather [hbm4b:s4+s15], $0x80, s7, s15, $0xb8;
	[tilespmem:$0x1DC00] =	vst v63  }
0x31: {  	s10 =	simm.s32 $0x80  }
0x32: {  	[tilespmem:s17], [sflag:$0x2] =	stream.indirect.gather [hbm4b:s4+s15], $0x80, s10, s15, $0xb8;
	[tilespmem:$0x1DC00] =	vst v63  }
0x33: {  	s1 =	simm.s32 $0x100  }
0x34: {  	[tilespmem:s18], [sflag:$0x3] =	stream.indirect.gather [hbm4b:s4+s15], $0x80, s1, s15, $0xb8;
	[tilespmem:$0x1DC00] =	vst v63  }
0x35: {  	s7 =	simm.s32 $0x180  }
0x36: {  	[tilespmem:s19], [sflag:$0x4] =	stream.indirect.gather [hbm4b:s4+s15], $0x80, s7, s15, $0xb8;
	[tilespmem:$0x1DC00] =	vst v63  }
0x37: {  	_ =	swait.ge [sflag:s20], $0x2000  }
0x38: {  	[sflag:s20] =	ssyncset.done $0x0  }
0x39: {  	s10 =	simm.s32 $0x1000;
	[sflag:s20] =	ssyncadd.s32 $0xFFFFE000  }
0x3a: {  	[spmem:s2] =	stream.indirect.scatter.add.f32 [tilespmem:s16], [sflag:$0x5], $0x80, s10, s15, $0xb8;
	[tilespmem:$0x1DC00] =	vst v63  }
0x3b: {  	_ =	swait.ge [sflag:s21], $0x2000  }
0x3c: {  	[sflag:s21] =	ssyncset.done $0x0  }
0x3d: {  	s1 =	simm.s32 $0x1080;
	[sflag:s21] =	ssyncadd.s32 $0xFFFFE000  }
0x3e: {  	[spmem:s2] =	stream.indirect.scatter.add.f32 [tilespmem:s17], [sflag:$0x6], $0x80, s1, s15, $0xb8;
	[tilespmem:$0x1DC00] =	vst v63  }
0x3f: {  	_ =	swait.ge [sflag:s22], $0x2000  }
0x40: {  	s31 =	simm.s32 $0x1;
	[sflag:s22] =	ssyncset.done $0x0  }
0x41: {  	s30 =	simm.s32 $0x800;
	s7 =	simm.s32 $0x1100;
	[sflag:s22] =	ssyncadd.s32 $0xFFFFE000  }
0x42: {  	[spmem:s2] =	stream.indirect.scatter.add.f32 [tilespmem:s18], [sflag:$0x7], $0x80, s7, s15, $0xb8;
	[tilespmem:$0x1DC00] =	vst v63  }
0x43: {  	s0 =	simm.s32 $0x1000;
	s10 =	sor.u32 s29, s31;
	_ =	swait.ge [sflag:s23], $0x2000  }
0x44: {  	p1 =	seq.s32 s10, $0x0;
	s1 =	simm.s32 $0x1180;
	[sflag:s23] =	ssyncset.done $0x0  }
.LBB2_3:
0x45: {  	s7 =	simm.s32 @!p1 $0x5  }
0x46: {  	[sflag:s23] =	ssyncadd.s32 $0xFFFFE000;
	s10 =	smov.u32 s0;
	s0 =	sadd.s32 $0x800, s0  }
0x47: {  	[spmem:s2] =	stream.indirect.scatter.add.f32 [tilespmem:s19], [sflag:$0x8], $0x80, s1, s15, $0xb8;
	[tilespmem:$0x1DC00] =	vst v63  }
0x48: {  	p0 =	sne.s32 s0, $0x4000;
	_ =	swait.ge @!p1 [sflag:s7], $0x2000  }
0x49: {  	[sflag:s7] =	ssyncset.done @!p1 $0x0  }
0x4a: {  	s1 =	simm.s32 @!p1 $0x6;
	[sflag:s7] =	ssyncadd.s32 @!p1 $0xFFFFE000  }
0x4b: {  	_ =	swait.ge @!p1 [sflag:s1], $0x2000  }
0x4c: {  	[sflag:s1] =	ssyncset.done @!p1 $0x0  }
0x4d: {  	[sflag:s1] =	ssyncadd.s32 @!p1 $0xFFFFE000;
	s1 =	simm.s32 @!p1 $0x7  }
0x4e: {  	_ =	swait.ge @!p1 [sflag:s1], $0x2000  }
0x4f: {  	[sflag:s1] =	ssyncset.done @!p1 $0x0  }
0x50: {  	[sflag:s1] =	ssyncadd.s32 @!p1 $0xFFFFE000;
	s1 =	simm.s32 @!p1 $0x8  }
0x51: {  	_ =	swait.ge @!p1 [sflag:s1], $0x2000  }
0x52: {  	[sflag:s1] =	ssyncset.done @!p1 $0x0  }
0x53: {  	[sflag:s1] =	ssyncadd.s32 @!p1 $0xFFFFE000;
	s1 =	sshra.s32 s30, $0x2;
	s30 =	smov.u32 s10  }
0x54: {  	[tilespmem:s16], [sflag:$0x1] =	stream.indirect.gather [hbm4b:s4+s15], $0x80, s1, s15, $0xb8;
	[tilespmem:$0x1DC00] =	vst v63  }
0x55: {  	s7 =	sadd.s32 $0x80, s1  }
0x56: {  	[tilespmem:s17], [sflag:$0x2] =	stream.indirect.gather [hbm4b:s4+s15], $0x80, s7, s15, $0xb8;
	[tilespmem:$0x1DC00] =	vst v63  }
0x57: {  	s7 =	sadd.s32 $0x100, s1  }
0x58: {  	[tilespmem:s18], [sflag:$0x3] =	stream.indirect.gather [hbm4b:s4+s15], $0x80, s7, s15, $0xb8;
	[tilespmem:$0x1DC00] =	vst v63  }
0x59: {  	s7 =	sadd.s32 $0x180, s1  }
0x5a: {  	[tilespmem:s19], [sflag:$0x4] =	stream.indirect.gather [hbm4b:s4+s15], $0x80, s7, s15, $0xb8;
	[tilespmem:$0x1DC00] =	vst v63  }
0x5b: {  	_ =	swait.ge [sflag:s20], $0x2000  }
0x5c: {  	[sflag:s20] =	ssyncset.done $0x0  }
0x5d: {  	s7 =	sadd.s32 $0x1000, s1;
	[sflag:s20] =	ssyncadd.s32 $0xFFFFE000  }
0x5e: {  	[spmem:s2] =	stream.indirect.scatter.add.f32 [tilespmem:s16], [sflag:$0x5], $0x80, s7, s15, $0xb8;
	[tilespmem:$0x1DC00] =	vst v63  }
0x5f: {  	_ =	swait.ge [sflag:s21], $0x2000  }
0x60: {  	[sflag:s21] =	ssyncset.done $0x0  }
0x61: {  	s7 =	sadd.s32 $0x1080, s1;
	[sflag:s21] =	ssyncadd.s32 $0xFFFFE000  }
0x62: {  	[spmem:s2] =	stream.indirect.scatter.add.f32 [tilespmem:s17], [sflag:$0x6], $0x80, s7, s15, $0xb8;
	[tilespmem:$0x1DC00] =	vst v63  }
0x63: {  	_ =	swait.ge [sflag:s22], $0x2000  }
.Ltmp0:
0x64: {  	[sflag:s22] =	ssyncset.done $0x0;
	(pc) =	sbr.rel @p0 .LBB2_3-.Ltmp0, $4  }
0x65: {  	s31 =	sadd.s32 $0x1, s31;
	s7 =	sadd.s32 $0x1100, s1;
	[sflag:s22] =	ssyncadd.s32 $0xFFFFE000  }
0x66: {  	[spmem:s2] =	stream.indirect.scatter.add.f32 [tilespmem:s18], [sflag:$0x7], $0x80, s7, s15, $0xb8;
	[tilespmem:$0x1DC00] =	vst v63  }
0x67: {  	s7 =	sor.u32 s29, s31;
	_ =	swait.ge [sflag:s23], $0x2000  }
0x68: {  	s1 =	sadd.s32 $0x1180, s1;
	p1 =	seq.s32 s7, $0x0;
	[sflag:s23] =	ssyncset.done $0x0  }
0x69: {  	s0 =	simm.s32 @!p1 $0x5;
	[sflag:s23] =	ssyncadd.s32 $0xFFFFE000  }
0x6a: {  	[spmem:s2] =	stream.indirect.scatter.add.f32 [tilespmem:s19], [sflag:$0x8], $0x80, s1, s15, $0xb8;
	[tilespmem:$0x1DC00] =	vst v63  }
0x6b: {  	_ =	swait.ge @!p1 [sflag:s0], $0x2000  }
0x6c: {  	[sflag:s0] =	ssyncset.done @!p1 $0x0  }
0x6d: {  	[sflag:s0] =	ssyncadd.s32 @!p1 $0xFFFFE000;
	s0 =	simm.s32 @!p1 $0x6  }
0x6e: {  	_ =	swait.ge @!p1 [sflag:s0], $0x2000  }
0x6f: {  	[sflag:s0] =	ssyncset.done @!p1 $0x0  }
0x70: {  	[sflag:s0] =	ssyncadd.s32 @!p1 $0xFFFFE000;
	s0 =	simm.s32 @!p1 $0x7  }
0x71: {  	_ =	swait.ge @!p1 [sflag:s0], $0x2000  }
0x72: {  	[sflag:s0] =	ssyncset.done @!p1 $0x0  }
0x73: {  	[sflag:s0] =	ssyncadd.s32 @!p1 $0xFFFFE000;
	s0 =	simm.s32 @!p1 $0x8  }
0x74: {  	_ =	swait.ge @!p1 [sflag:s0], $0x2000  }
0x75: {  	[sflag:s0] =	ssyncset.done @!p1 $0x0  }
0x76: {  	[sflag:s0] =	ssyncadd.s32 @!p1 $0xFFFFE000;
	s0 =	sshra.s32 s30, $0x2  }
0x77: {  	[tilespmem:s16], [sflag:$0x1] =	stream.indirect.gather [hbm4b:s4+s15], $0x80, s0, s15, $0xb8;
	[tilespmem:$0x1DC00] =	vst v63  }
0x78: {  	s30 =	sadd.s32 $0x80, s0  }
0x79: {  	[tilespmem:s17], [sflag:$0x2] =	stream.indirect.gather [hbm4b:s4+s15], $0x80, s30, s15, $0xb8;
	[tilespmem:$0x1DC00] =	vst v63  }
0x7a: {  	s31 =	sadd.s32 $0x100, s0  }
0x7b: {  	[tilespmem:s18], [sflag:$0x3] =	stream.indirect.gather [hbm4b:s4+s15], $0x80, s31, s15, $0xb8;
	[tilespmem:$0x1DC00] =	vst v63  }
0x7c: {  	s7 =	sadd.s32 $0x180, s0  }
0x7d: {  	[tilespmem:s19], [sflag:$0x4] =	stream.indirect.gather [hbm4b:s4+s15], $0x80, s7, s15, $0xb8;
	[tilespmem:$0x1DC00] =	vst v63  }
0x7e: {  	_ =	swait.ge [sflag:s20], $0x2000  }
0x7f: {  	[sflag:s20] =	ssyncset.done $0x0  }
0x80: {  	s10 =	sadd.s32 $0x1000, s0;
	[sflag:s20] =	ssyncadd.s32 $0xFFFFE000  }
0x81: {  	[spmem:s2] =	stream.indirect.scatter.add.f32 [tilespmem:s16], [sflag:$0x5], $0x80, s10, s15, $0xb8;
	[tilespmem:$0x1DC00] =	vst v63  }
0x82: {  	_ =	swait.ge [sflag:s21], $0x2000  }
0x83: {  	[sflag:s21] =	ssyncset.done $0x0  }
0x84: {  	s30 =	sadd.s32 $0x1080, s0;
	[sflag:s21] =	ssyncadd.s32 $0xFFFFE000  }
0x85: {  	[spmem:s2] =	stream.indirect.scatter.add.f32 [tilespmem:s17], [sflag:$0x6], $0x80, s30, s15, $0xb8;
	[tilespmem:$0x1DC00] =	vst v63  }
0x86: {  	_ =	swait.ge [sflag:s22], $0x2000  }
0x87: {  	s29 =	sadd.s32 $0x1, s29;
	[sflag:s22] =	ssyncset.done $0x0  }
0x88: {  	p0 =	sne.s32 s29, $0x5;
	s31 =	sadd.s32 $0x1100, s0;
	[sflag:s22] =	ssyncadd.s32 $0xFFFFE000  }
0x89: {  	[spmem:s2] =	stream.indirect.scatter.add.f32 [tilespmem:s18], [sflag:$0x7], $0x80, s31, s15, $0xb8;
	[tilespmem:$0x1DC00] =	vst v63  }
.Ltmp1:
0x8a: {  	_ = 	snop;
	(pc) =	sbr.rel @p0 .LBB2_2-.Ltmp1, $4  }
0x8b: {  	_ =	swait.ge [sflag:s23], $0x2000  }
0x8c: {  	[sflag:s23] =	ssyncset.done $0x0  }
0x8d: {  	s0 =	sadd.s32 $0x1180, s0;
	[sflag:s23] =	ssyncadd.s32 $0xFFFFE000  }
0x8e: {  	[spmem:s2] =	stream.indirect.scatter.add.f32 [tilespmem:s19], [sflag:$0x8], $0x80, s0, s15, $0xb8;
	[tilespmem:$0x1DC00] =	vst v63  }
0x8f: {  	_ =	swait.ge [sflag:s24], $0x2000  }
0x90: {  	[sflag:s24] =	ssyncset.done $0x0  }
0x91: {  	[sflag:s24] =	ssyncadd.s32 $0xFFFFE000  }
0x92: {  	_ =	swait.ge [sflag:s25], $0x2000  }
0x93: {  	[sflag:s25] =	ssyncset.done $0x0  }
0x94: {  	[sflag:s25] =	ssyncadd.s32 $0xFFFFE000  }
0x95: {  	_ =	swait.ge [sflag:s26], $0x2000  }
0x96: {  	[sflag:s26] =	ssyncset.done $0x0  }
0x97: {  	[sflag:s26] =	ssyncadd.s32 $0xFFFFE000  }
0x98: {  	_ =	swait.ge [sflag:s28], $0x2000  }
0x99: {  	[sflag:s28] =	ssyncset.done $0x0  }
0x9a: {  	s3 =	sadd.s32 $0x1, s3;
	[sflag:s28] =	ssyncadd.s32 $0xFFFFE000  }
0x9b: {  	p0 =	sne.s32 s3, s11;
	[bflag:$0x0] =	sbarrier.arrive $0xFFFF  }
.Ltmp2:
0x9c: {  	s0 =	rddreg [dreg:$0x4];
	(pc) =	sbr.rel @p0 .LBB2_1-.Ltmp2, $4  }
0x9d: {  	[hbm:s0], [sflag:s8] =	dma.local [spmem:s12], $0x2780  }
0x9e: {  	_ =	swait.ge [sflag:s13], $0x2780  }
0x9f: {  	[sflag:s13] =	ssyncset.done $0x0  }
0xa0: {  	[sflag:s13] =	ssyncadd.s32 $0xFFFFD880  }
0xa1: {  	_ =	sfence.sel $0x180000  }
0xa2: {  	[bflag:$0x0] =	sbarrier.arrive $0xFFFF  }
0xa3: {  	_ =	strace $0x9000004A  }
0xa4: {  	s0 =	stileid.u32;
	[bflag:$0x2] =	sbarrier.arrive $0xFFFF  }
0xa5: {  	p0 =	sne.s32 s0, $0x0;
	s0 =	rddreg [dreg:$0x2]  }
0xa6: {  	s0 =	sadd.s32 @!p0 $0x100000, s0  }
0xa7: {  	[sflag:s0] =	ssyncadd.tile.s32 @!p0 $0x1;
	_ =	shalt  }
.Lfunc_end2:
_tile_overlayer_lowered:
.L_overlay_start_2:
0xa8: {  	(tag) =	ssettag $0x2  }
0xa9: {  	s0 =	rddreg [dreg:$0x0];
	s2 =	stileid.u32  }
0xaa: {  	s1 =	rddreg [dreg:$0x1];
	p0 =	sne.s32 s2, $0x0  }
0xab: {  	s3 =	rddreg [dreg:$0x2];
	[bflag:$0x3] =	sbarrier.arrive $0xFFFF;
	s2 =	simm.s32 @!p0 $0x1C09  }
0xac: {  	[timem:s3], [sflag:s2] =	dma.local @!p0 [hbm:s0], s1  }
0xad: {  	s0 =	simm.s32 @!p0 $0x9  }
0xae: {  	_ =	swait.ge @!p0 [sflag:s0], s1  }
0xaf: {  	s1 =	ssub.s32 @!p0 $0x0, s1;
	[sflag:s0] =	ssyncset.done @!p0 $0x0  }
0xb0: {  	[sflag:s0] =	ssyncadd.s32 @!p0 s1  }
0xb1: {  	[bflag:$0x3] =	sbarrier.arrive $0xFFFF  }
0xb2: {  	_ =	shalt  }

// kernel: kernel.14.cloned.1.call-start
scs
__scs_entry_jumppad:
0x0: {  	(pc) =	sbr.rel $0x88, $3  }
0x1: {  	(tag) =	ssettag $0x0;
	lr =	simm.s32 $0x1  }
0x2: {  	[smem:$0x3F9B] =	sst lr;
	_ =	strace $0xD0000000  }
0x3: {  	_ = 	snop  }
0x4: {  	_ = 	snop  }
0x5: {  	_ = 	snop  }
0x6: {  	_ = 	snop  }
0x7: {  	_ = 	snop  }
__scs_overlays_trampoline_lowered:
0x8: {  	[smem:$0x3FAA] =	sst s0  }
0x9: {  	[smem:$0x3FAB] =	sst s1  }
0xa: {  	[smem:$0x3FAC] =	sst s2  }
0xb: {  	[smem:$0x3FAD] =	sst s3  }
0xc: {  	[smem:$0x3FAE] =	sst s4  }
0xd: {  	[smem:$0x3FAF] =	sst s5  }
0xe: {  	[smem:$0x3FB0] =	sst s6  }
0xf: {  	[smem:$0x3FB1] =	sst s7  }
0x10: {  	[smem:$0x3FB2] =	sst s8  }
0x11: {  	[smem:$0x3FB3] =	sst s9;
	s0 =	simm.s32 @!p0 $0x0  }
0x12: {  	s1 =	sld [smem:$0x3F99];
	s0 =	simm.s32 @p0 $0x1  }
0x13: {  	[smem:$0x3FB4] =	sst s0;
	s0 =	simm.s32 @!p1 $0x0  }
0x14: {  	s2 =	sld [smem:$0x3F98];
	s0 =	simm.s32 @p1 $0x1  }
0x15: {  	[smem:$0x3FB5] =	sst s0;
	s0 =	simm.s32 @!p2 $0x0  }
0x16: {  	s3 =	sld [smem:$0x3FDB];
	s0 =	simm.s32 @p2 $0x1  }
0x17: {  	s4 =	simm.s32 $0x1BF5;
	[smem:$0x3FB7] =	sst s0  }
0x18: {  	s0 =	sld [smem:$0x3F9A];
	_ =	swait.ge [sflag:s4], $0x0  }
0x19: {  	s7 =	sld [smem:$0x3F9B]  }
0x1a: {  	s8 =	sadd.s32 $0xFFFFE003, lr  }
0x1b: {  	s9 =	sadd.s32 $0xFFFFFEF7, lr;
	s5 =	simm.s32 $0xFFFFFFFF;
	p2 =	slt.u32 s8, $0xFFFFF086  }
0x1c: {  	p1 =	slt.u32 s9, $0xF7A;
	s5 =	simm.s32 @!p2 $0x0  }
0x1d: {  	s5 =	simm.s32 @p1 $0x1;
	p0 =	seq.s32 s7, s2  }
0x1e: {  	s7 =	smul.u32 @!p0 $0xF7A, s2;
	p2 =	seq.s32 @!p0 s5, $0x0  }
0x1f: {  	s9 =	smul.u32 $0xF7A, s1;
	s8 =	simm.s32 @!p0 $0x1BF5;
	p2 =	por !p2, p0  }
0x20: {  	[sflag:s8] =	ssyncset.s32 @!p0 $0xFFFFF086;
	s6 =	sadd.s32 @!p0 s3, s7;
	s7 =	simm.s32 @!p0 $0x108  }
0x21: {  	s3 =	sadd.s32 s3, s9;
	s6 =	sadd.s32 @!p0 $0x88, s6;
	s7 =	simm.s32 @p2 $0x1082  }
0x22: {  	[simem:s7], [sflag:s8] =	dma.local @!p0 [hbm:s6], $0xF7A  }
0x23: {  	s9 =	sor.u32 $0xD0000000, s2;
	s6 =	simm.s32 $0x108;
	_ =	swait.ge @!p0 [sflag:s8], $0x0  }
0x24: {  	s3 =	sadd.s32 $0x88, s3;
	s6 =	simm.s32 @!p1 $0x1082;
	[sflag:s4] =	ssyncset.s32 $0xFFFFF086  }
0x25: {  	[simem:s6], [sflag:s4] =	dma.local [hbm:s3], $0xF7A  }
0x26: {  	[smem:$0x3F9B] =	sst s1;
	(tag) =	ssettag s2;
	_ =	strace s9  }
0x27: {  	s1 =	sld [smem:$0x3FAB]  }
0x28: {  	s2 =	sld [smem:$0x3FAC]  }
0x29: {  	s4 =	sld [smem:$0x3FAE]  }
0x2a: {  	p0 =	seq.s32 s5, $0x0;
	s5 =	sld [smem:$0x3FAF]  }
0x2b: {  	s6 =	sld [smem:$0x3FB0]  }
0x2c: {  	s7 =	sld [smem:$0x3FB1]  }
0x2d: {  	s3 =	simm.s32 $0x108;
	s8 =	sld [smem:$0x3FB2]  }
0x2e: {  	s3 =	simm.s32 @!p0 $0x1082;
	s9 =	sld [smem:$0x3FB3]  }
0x2f: {  	lr =	sadd.s32 s0, s3;
	s0 =	sld [smem:$0x3FAA]  }
0x30: {  	s3 =	sld [smem:$0x3FAD]  }
0x31: {  	[smem:$0x3FB6] =	sst s10  }
0x32: {  	s10 =	sld [smem:$0x3FB4];
	_ =	sdelay $0x3  }
0x33: {  	p0 =	seq.s32 s10, $0x1;
	s10 =	sld [smem:$0x3FB6];
	_ =	sdelay $0x3  }
0x34: {  	[smem:$0x3FB6] =	sst s10  }
0x35: {  	s10 =	sld [smem:$0x3FB5];
	_ =	sdelay $0x3  }
0x36: {  	p1 =	seq.s32 s10, $0x1;
	s10 =	sld [smem:$0x3FB6];
	_ =	sdelay $0x3  }
0x37: {  	[smem:$0x3FB6] =	sst s10  }
0x38: {  	s10 =	sld [smem:$0x3FB7]  }
0x39: {  	_ = 	snop;
	(pc) =	sbr.ind lr, $3  }
0x3a: {  	_ = 	snop  }
0x3b: {  	_ = 	snop  }
0x3c: {  	p2 =	seq.s32 s10, $0x1;
	s10 =	sld [smem:$0x3FB6]  }
0x3d: {  	_ =	shalt  }
0x3e: {  	_ =	shalt  }
0x3f: {  	_ =	shalt  }
0x40: {  	_ =	shalt  }
0x41: {  	_ =	shalt  }
0x42: {  	_ =	shalt  }
0x43: {  	_ =	shalt  }
0x44: {  	_ =	shalt  }
0x45: {  	_ =	shalt  }
0x46: {  	_ =	shalt  }
0x47: {  	_ =	shalt  }
0x48: {  	_ =	shalt  }
0x49: {  	_ =	shalt  }
0x4a: {  	_ =	shalt  }
0x4b: {  	_ =	shalt  }
0x4c: {  	_ =	shalt  }
0x4d: {  	_ =	shalt  }
0x4e: {  	_ =	shalt  }
0x4f: {  	_ =	shalt  }
0x50: {  	_ =	shalt  }
0x51: {  	_ =	shalt  }
0x52: {  	_ =	shalt  }
0x53: {  	_ =	shalt  }
0x54: {  	_ =	shalt  }
0x55: {  	_ =	shalt  }
0x56: {  	_ =	shalt  }
0x57: {  	_ =	shalt  }
0x58: {  	_ =	shalt  }
0x59: {  	_ =	shalt  }
0x5a: {  	_ =	shalt  }
0x5b: {  	_ =	shalt  }
0x5c: {  	_ =	shalt  }
0x5d: {  	_ =	shalt  }
0x5e: {  	_ =	shalt  }
0x5f: {  	_ =	shalt  }
0x60: {  	_ =	shalt  }
0x61: {  	_ =	shalt  }
0x62: {  	_ =	shalt  }
0x63: {  	_ =	shalt  }
0x64: {  	_ =	shalt  }
0x65: {  	_ =	shalt  }
0x66: {  	_ =	shalt  }
0x67: {  	_ =	shalt  }
0x68: {  	_ =	shalt  }
0x69: {  	_ =	shalt  }
0x6a: {  	_ =	shalt  }
0x6b: {  	_ =	shalt  }
0x6c: {  	_ =	shalt  }
0x6d: {  	_ =	shalt  }
0x6e: {  	_ =	shalt  }
0x6f: {  	_ =	shalt  }
0x70: {  	_ =	shalt  }
0x71: {  	_ =	shalt  }
0x72: {  	_ =	shalt  }
0x73: {  	_ =	shalt  }
0x74: {  	_ =	shalt  }
0x75: {  	_ =	shalt  }
0x76: {  	_ =	shalt  }
0x77: {  	_ =	shalt  }
0x78: {  	_ =	shalt  }
0x79: {  	_ =	shalt  }
0x7a: {  	_ =	shalt  }
0x7b: {  	_ =	shalt  }
0x7c: {  	_ =	shalt  }
0x7d: {  	_ =	shalt  }
0x7e: {  	_ =	shalt  }
0x7f: {  	_ =	shalt  }
0x80: {  	_ =	shalt  }
0x81: {  	_ =	shalt  }
0x82: {  	_ =	shalt  }
0x83: {  	_ =	shalt  }
0x84: {  	_ =	shalt  }
0x85: {  	_ =	shalt  }
0x86: {  	_ =	shalt  }
0x87: {  	_ =	shalt  }
.Lfunc_end0:
.L_simem_size_0:
called_computation.2_lowered:
.L_overlay_start_0:
0x88: {  	s2 =	sld [smem:$0x3FD9]  }
0x89: {  	s3 =	sld [smem:$0x3FFE];
	_ =	sdelay $0x1  }
0x8a: {  	s1 =	srdreg.scid  }
0x8b: {  	s0 =	sand.u32 $0x1, s1  }
0x8c: {  	s16 =	sshll.u32 s0, $0xA;
	s2 =	sadd.s32 s3, s2  }
0x8d: {  	s2 =	sadd.s32 s2, s16  }
0x8e: {  	[smem:$0x3FC2] =	sst s2  }
0x8f: {  	_ = 	snop  }
0x90: {  	(tm) =	ssettm $0x1  }
0x91: {  	s17 =	sld [smem:$0x3FFB];
	_ =	sdelay $0x3  }
0x92: {  	_ =	strace s17  }
0x93: {  	s2 =	sld [smem:$0x3FFC];
	_ =	sdelay $0x3  }
0x94: {  	_ =	strace s2  }
0x95: {  	s2 =	sld [smem:$0x3FFD];
	_ =	sdelay $0x3  }
0x96: {  	_ =	strace s2  }
0x97: {  	_ =	strace $0x8FFFFFFF  }
0x98: {  	s18 =	sld [smem:$0x3FDB];
	_ =	sdelay $0x1  }
0x99: {  	s19 =	simm.s32 $_scs_section_size  }
0x9a: {  	s4 =	simm.s32 $_size__tile_overlayer_lowered;
	s5 =	simm.s32 $_tile_overlayer_lowered  }
0x9b: {  	s22 =	simm.s32 $0x1BFF;
	s21 =	sshll.u32 s5, $0x1;
	s2 =	sadd.s32 s19, s18  }
0x9c: {  	s6 =	simm.s32 $0x0;
	s20 =	sshll.u32 s4, $0x1;
	s4 =	sadd.s32 s21, s2  }
0x9d: {  	[timem:s6], [sflag:s22] =	dma.local [hbm:s4], s20  }
0x9e: {  	_ =	swait.ge [sflag:s22], s20  }
0x9f: {  	s3 =	ssub.s32 $0x0, s20;
	[sflag:s22] =	ssyncset.done $0x0  }
0xa0: {  	[sflag:s22] =	ssyncadd.s32 s3;
	_ =	sdelay $0x1  }
0xa1: {  	s23 =	simm.s32 $0x1B8B  }
0xa2: {  	_ =	swait.ge [sflag:s23], $0x1  }
0xa3: {  	[sflag:s23] =	ssyncset.done $0x0  }
0xa4: {  	s25 =	simm.s32 $0x1B8E;
	s24 =	sld [smem:$0x3FFE];
	[sflag:s23] =	ssyncadd.s32 $0xFFFFFFFF  }
0xa5: {  	s26 =	simm.s32 $execute0_lowered;
	[smem:$0x3FD2] =	sst s25  }
0xa6: {  	s4 =	sshll.u32 s26, $0x1;
	_ =	strace $0x8000004C;
	[dreg:$0x1] =	wrdreg $0xFFFFFFFF  }
0xa7: {  	s28 =	simm.s32 $_size_execute0_lowered;
	s2 =	sadd.s32 s2, s4;
	[dreg:$0x0] =	wrdreg $0x0  }
0xa8: {  	s4 =	sshll.u32 s28, $0x1;
	[dreg:$0x2] =	wrdreg s2  }
0xa9: {  	[dreg:$0x3] =	wrdreg s4  }
0xaa: {  	[dreg:$0x4] =	wrdreg $0xC0  }
0xab: {  	_ =	task [dreg:s6], $0x5FFFF  }
0xac: {  	[dreg:$0x1] =	wrdreg $0xFFFFFFFF  }
0xad: {  	[dreg:$0x0] =	wrdreg $0x60  }
0xae: {  	[dreg:$0x2] =	wrdreg s24  }
0xaf: {  	[dreg:$0x3] =	wrdreg $0xA0000  }
0xb0: {  	[dreg:$0x4] =	wrdreg $0x9  }
0xb1: {  	_ =	task.clear_ibuf [dreg:s6], $0x5FFFF;
	_ =	strace $0x9000004C  }
0xb2: {  	s29 =	simm.s32 $0x9;
	_ =	strace $0x8000004E  }
0xb3: {  	_ =	swait.ge [sflag:s29], $0x1  }
0xb4: {  	[sflag:s29] =	ssyncadd.s32 $0xFFFFFFFF  }
0xb5: {  	_ =	strace $0x9000004E  }
0xb6: {  	_ =	sfence  }
0xb7: {  	s30 =	sld [smem:$0x0];
	_ =	sdelay $0x2  }
0xb8: {  	s31 =	sshll.u32 s1, $0xD;
	s1 =	sshrl.u32 s1, $0x2  }
0xb9: {  	s3 =	sand.u32 $0x4000, s31;
	s1 =	sadd.s32 s1, s30  }
0xba: {  	s0 =	sor.u32 s3, s0;
	s1 =	sshll.u32 s1, $0x11  }
0xbb: {  	s0 =	sor.u32 s1, s0  }
0xbc: {  	s0 =	sadd.s32 $0x8F2B, s0  }
0xbd: {  	[sflag:s0] =	ssyncadd.remote.s32 $0x1  }
0xbe: {  	_ =	sfence.sel $0xFFFF  }
0xbf: {  	[dreg:$0x0] =	wrdreg $0xFFFFFFFF;
	(pc) =	sbr.abs _section_cstart, $3  }
0xc0: {  	[dreg:$0x1] =	wrdreg $0xFFFFFFFF  }
0xc1: {  	_ =	task.clear_ibuf [dreg:s6], $0x2FFFF;
	_ =	strace $0x9FFFFFFF  }
0xc2: {  	(tm) =	ssettm $0x7FFFFFFF  }
0xc3: {  	_ =	shalt  }
tec
execute0_lowered:
.L_overlay_start_1:
0x0: {  	(tag) =	ssettag $0x1  }
0x1: {  	s0 =	rddreg [dreg:$0x0]  }
0x2: {  	s2 =	rddreg [dreg:$0x1]  }
0x3: {  	s1 =	srdreg.scid;
	s13 =	stileid.u32;
	s3 =	simm.s32 $0x0  }
0x4: {  	s14 =	simm.s32 $0x1000;
	s15 =	simm.s32 $0x40;
	s16 =	simm.s32 $0x2000  }
0x5: {  	s17 =	simm.s32 $0x4000;
	s18 =	simm.s32 $0x6000;
	s19 =	simm.s32 $0x8000  }
0x6: {  	s20 =	simm.s32 $0x1;
	s21 =	simm.s32 $0x2;
	s22 =	simm.s32 $0x3  }
0x7: {  	s23 =	simm.s32 $0x4;
	s24 =	simm.s32 $0x5;
	s25 =	simm.s32 $0x6  }
0x8: {  	s26 =	simm.s32 $0x7;
	s28 =	simm.s32 $0x8;
	s1 =	sand.u32 $0x1, s1  }
0x9: {  	s7 =	smul.u32 $0x2780, s13;
	[smem:$0x7FF] =	sst s3;
	s4 =	sadd.s32 $0x3000, s0  }
0xa: {  	s5 =	sadd.s32 $0x66000, s0;
	s10 =	smul.u32 $0x4F000, s13;
	s31 =	sshll.u32 s13, $0x6  }
0xb: {  	s6 =	smul.u32 $0x27800, s1;
	_ =	strace $0x8000004D;
	s9 =	ssub.s32 $0x2, s1  }
0xc: {  	s1 =	sshll.u32 s1, $0x4;
	s29 =	sshrl.u32 s9, $0x1;
	s30 =	sshrl.u32 s10, $0x2  }
0xd: {  	s1 =	sor.u32 s13, s1;
	s13 =	simm.s32 $0x9;
	s8 =	sadd.s32 s7, s6  }
0xe: {  	s6 =	sadd.s32 $0x52000, s0;
	s11 =	ssub.s32 s9, s29;
	s12 =	sadd.s32 s30, s2  }
0xf: {  	s7 =	sadd.s32 s4, s7;
	s9 =	smul.u32 $0x5000, s1;
	s0 =	sadd.s32 s8, s0  }
0x10: {  	[dreg:$0x3] =	wrdreg s7;
	s8 =	sor.u32 $0x1C09, s31;
	s0 =	sadd.s32 $0x7A000, s0  }
0x11: {  	s11 =	smax.u32 s11, $0x1;
	s12 =	sshrl.u32 s12, $0x3;
	[dreg:$0x4] =	wrdreg s0  }
.LBB2_1:
0x12: {  	s0 =	rddreg [dreg:$0x3]  }
0x13: {  	[spmem:s12], [sflag:s8] =	dma.local [hbm:s0], $0x2780  }
0x14: {  	_ =	swait.ge [sflag:s13], $0x2780  }
0x15: {  	[sflag:s13] =	ssyncset.done $0x0  }
0x16: {  	[sflag:s13] =	ssyncadd.s32 $0xFFFFD880  }
0x17: {  	s29 =	simm.s32 $0x0;
	[bflag:$0x0] =	sbarrier.arrive $0xFFFF  }
.LBB2_2:
0x18: {  	s0 =	sshll.u32 s29, $0xC  }
0x19: {  	s0 =	sadd.s32 s9, s0  }
0x1a: {  	s0 =	sshrl.u32 s0, $0x3  }
0x1b: {  	s30 =	simm.s32 $0x0;
	s1 =	sadd.s32 s5, s0  }
0x1c: {  	[tilespmem:s30], [sflag:$0x9] =	stream.linear.gather [hbm4b:s1+s30], $0x1000, $0x38;
	[tilespmem:$0x1DC00] =	vst v63  }
0x1d: {  	_ =	swait.ge [sflag:s13], $0x1000  }
0x1e: {  	[sflag:s13] =	ssyncset.done $0x0  }
0x1f: {  	s0 =	sadd.s32 s6, s0;
	[sflag:s13] =	ssyncadd.s32 $0xFFFFF000  }
0x20: {  	[tilespmem:s14], [sflag:$0x9] =	stream.linear.gather [hbm4b:s0+s30], $0x1000, $0x38;
	[tilespmem:$0x1DC00] =	vst v63  }
0x21: {  	s1 =	sor.u32 s29, s30;
	_ =	swait.ge [sflag:s13], $0x1000  }
0x22: {  	p0 =	seq.s32 s1, $0x0;
	[sflag:s13] =	ssyncset.done $0x0  }
0x23: {  	s0 =	simm.s32 @!p0 $0x5;
	[sflag:s13] =	ssyncadd.s32 $0xFFFFF000  }
0x24: {  	_ =	swait.ge @!p0 [sflag:s0], $0x2000  }
0x25: {  	[sflag:s0] =	ssyncset.done @!p0 $0x0  }
0x26: {  	[sflag:s0] =	ssyncadd.s32 @!p0 $0xFFFFE000;
	s0 =	simm.s32 @!p0 $0x6  }
0x27: {  	_ =	swait.ge @!p0 [sflag:s0], $0x2000  }
0x28: {  	[sflag:s0] =	ssyncset.done @!p0 $0x0  }
0x29: {  	[sflag:s0] =	ssyncadd.s32 @!p0 $0xFFFFE000;
	s0 =	simm.s32 @!p0 $0x7  }
0x2a: {  	_ =	swait.ge @!p0 [sflag:s0], $0x2000  }
0x2b: {  	[sflag:s0] =	ssyncset.done @!p0 $0x0  }
0x2c: {  	[sflag:s0] =	ssyncadd.s32 @!p0 $0xFFFFE000;
	s0 =	simm.s32 @!p0 $0x8  }
0x2d: {  	_ =	swait.ge @!p0 [sflag:s0], $0x2000  }
0x2e: {  	[sflag:s0] =	ssyncset.done @!p0 $0x0  }
0x2f: {  	s7 =	simm.s32 $0x0;
	[sflag:s0] =	ssyncadd.s32 @!p0 $0xFFFFE000  }
0x30: {  	[tilespmem:s16], [sflag:$0x1] =	stream.indirect.gather [hbm4b:s4+s15], $0x80, s7, s15, $0xb8;
	[tilespmem:$0x1DC00] =	vst v63  }
0x31: {  	s10 =	simm.s32 $0x80  }
0x32: {  	[tilespmem:s17], [sflag:$0x2] =	stream.indirect.gather [hbm4b:s4+s15], $0x80, s10, s15, $0xb8;
	[tilespmem:$0x1DC00] =	vst v63  }
0x33: {  	s1 =	simm.s32 $0x100  }
0x34: {  	[tilespmem:s18], [sflag:$0x3] =	stream.indirect.gather [hbm4b:s4+s15], $0x80, s1, s15, $0xb8;
	[tilespmem:$0x1DC00] =	vst v63  }
0x35: {  	s7 =	simm.s32 $0x180  }
0x36: {  	[tilespmem:s19], [sflag:$0x4] =	stream.indirect.gather [hbm4b:s4+s15], $0x80, s7, s15, $0xb8;
	[tilespmem:$0x1DC00] =	vst v63  }
0x37: {  	_ =	swait.ge [sflag:s20], $0x2000  }
0x38: {  	[sflag:s20] =	ssyncset.done $0x0  }
0x39: {  	s10 =	simm.s32 $0x1000;
	[sflag:s20] =	ssyncadd.s32 $0xFFFFE000  }
0x3a: {  	[spmem:s2] =	stream.indirect.scatter.add.f32 [tilespmem:s16], [sflag:$0x5], $0x80, s10, s15, $0xb8;
	[tilespmem:$0x1DC00] =	vst v63  }
0x3b: {  	_ =	swait.ge [sflag:s21], $0x2000  }
0x3c: {  	[sflag:s21] =	ssyncset.done $0x0  }
0x3d: {  	s1 =	simm.s32 $0x1080;
	[sflag:s21] =	ssyncadd.s32 $0xFFFFE000  }
0x3e: {  	[spmem:s2] =	stream.indirect.scatter.add.f32 [tilespmem:s17], [sflag:$0x6], $0x80, s1, s15, $0xb8;
	[tilespmem:$0x1DC00] =	vst v63  }
0x3f: {  	_ =	swait.ge [sflag:s22], $0x2000  }
0x40: {  	s31 =	simm.s32 $0x1;
	[sflag:s22] =	ssyncset.done $0x0  }
0x41: {  	s30 =	simm.s32 $0x800;
	s7 =	simm.s32 $0x1100;
	[sflag:s22] =	ssyncadd.s32 $0xFFFFE000  }
0x42: {  	[spmem:s2] =	stream.indirect.scatter.add.f32 [tilespmem:s18], [sflag:$0x7], $0x80, s7, s15, $0xb8;
	[tilespmem:$0x1DC00] =	vst v63  }
0x43: {  	s0 =	simm.s32 $0x1000;
	s10 =	sor.u32 s29, s31;
	_ =	swait.ge [sflag:s23], $0x2000  }
0x44: {  	p1 =	seq.s32 s10, $0x0;
	s1 =	simm.s32 $0x1180;
	[sflag:s23] =	ssyncset.done $0x0  }
.LBB2_3:
0x45: {  	s7 =	simm.s32 @!p1 $0x5  }
0x46: {  	[sflag:s23] =	ssyncadd.s32 $0xFFFFE000;
	s10 =	smov.u32 s0;
	s0 =	sadd.s32 $0x800, s0  }
0x47: {  	[spmem:s2] =	stream.indirect.scatter.add.f32 [tilespmem:s19], [sflag:$0x8], $0x80, s1, s15, $0xb8;
	[tilespmem:$0x1DC00] =	vst v63  }
0x48: {  	p0 =	sne.s32 s0, $0x4000;
	_ =	swait.ge @!p1 [sflag:s7], $0x2000  }
0x49: {  	[sflag:s7] =	ssyncset.done @!p1 $0x0  }
0x4a: {  	s1 =	simm.s32 @!p1 $0x6;
	[sflag:s7] =	ssyncadd.s32 @!p1 $0xFFFFE000  }
0x4b: {  	_ =	swait.ge @!p1 [sflag:s1], $0x2000  }
0x4c: {  	[sflag:s1] =	ssyncset.done @!p1 $0x0  }
0x4d: {  	[sflag:s1] =	ssyncadd.s32 @!p1 $0xFFFFE000;
	s1 =	simm.s32 @!p1 $0x7  }
0x4e: {  	_ =	swait.ge @!p1 [sflag:s1], $0x2000  }
0x4f: {  	[sflag:s1] =	ssyncset.done @!p1 $0x0  }
0x50: {  	[sflag:s1] =	ssyncadd.s32 @!p1 $0xFFFFE000;
	s1 =	simm.s32 @!p1 $0x8  }
0x51: {  	_ =	swait.ge @!p1 [sflag:s1], $0x2000  }
0x52: {  	[sflag:s1] =	ssyncset.done @!p1 $0x0  }
0x53: {  	[sflag:s1] =	ssyncadd.s32 @!p1 $0xFFFFE000;
	s1 =	sshra.s32 s30, $0x2;
	s30 =	smov.u32 s10  }
0x54: {  	[tilespmem:s16], [sflag:$0x1] =	stream.indirect.gather [hbm4b:s4+s15], $0x80, s1, s15, $0xb8;
	[tilespmem:$0x1DC00] =	vst v63  }
0x55: {  	s7 =	sadd.s32 $0x80, s1  }
0x56: {  	[tilespmem:s17], [sflag:$0x2] =	stream.indirect.gather [hbm4b:s4+s15], $0x80, s7, s15, $0xb8;
	[tilespmem:$0x1DC00] =	vst v63  }
0x57: {  	s7 =	sadd.s32 $0x100, s1  }
0x58: {  	[tilespmem:s18], [sflag:$0x3] =	stream.indirect.gather [hbm4b:s4+s15], $0x80, s7, s15, $0xb8;
	[tilespmem:$0x1DC00] =	vst v63  }
0x59: {  	s7 =	sadd.s32 $0x180, s1  }
0x5a: {  	[tilespmem:s19], [sflag:$0x4] =	stream.indirect.gather [hbm4b:s4+s15], $0x80, s7, s15, $0xb8;
	[tilespmem:$0x1DC00] =	vst v63  }
0x5b: {  	_ =	swait.ge [sflag:s20], $0x2000  }
0x5c: {  	[sflag:s20] =	ssyncset.done $0x0  }
0x5d: {  	s7 =	sadd.s32 $0x1000, s1;
	[sflag:s20] =	ssyncadd.s32 $0xFFFFE000  }
0x5e: {  	[spmem:s2] =	stream.indirect.scatter.add.f32 [tilespmem:s16], [sflag:$0x5], $0x80, s7, s15, $0xb8;
	[tilespmem:$0x1DC00] =	vst v63  }
0x5f: {  	_ =	swait.ge [sflag:s21], $0x2000  }
0x60: {  	[sflag:s21] =	ssyncset.done $0x0  }
0x61: {  	s7 =	sadd.s32 $0x1080, s1;
	[sflag:s21] =	ssyncadd.s32 $0xFFFFE000  }
0x62: {  	[spmem:s2] =	stream.indirect.scatter.add.f32 [tilespmem:s17], [sflag:$0x6], $0x80, s7, s15, $0xb8;
	[tilespmem:$0x1DC00] =	vst v63  }
0x63: {  	_ =	swait.ge [sflag:s22], $0x2000  }
.Ltmp0:
0x64: {  	[sflag:s22] =	ssyncset.done $0x0;
	(pc) =	sbr.rel @p0 .LBB2_3-.Ltmp0, $4  }
0x65: {  	s31 =	sadd.s32 $0x1, s31;
	s7 =	sadd.s32 $0x1100, s1;
	[sflag:s22] =	ssyncadd.s32 $0xFFFFE000  }
0x66: {  	[spmem:s2] =	stream.indirect.scatter.add.f32 [tilespmem:s18], [sflag:$0x7], $0x80, s7, s15, $0xb8;
	[tilespmem:$0x1DC00] =	vst v63  }
0x67: {  	s7 =	sor.u32 s29, s31;
	_ =	swait.ge [sflag:s23], $0x2000  }
0x68: {  	s1 =	sadd.s32 $0x1180, s1;
	p1 =	seq.s32 s7, $0x0;
	[sflag:s23] =	ssyncset.done $0x0  }
0x69: {  	s0 =	simm.s32 @!p1 $0x5;
	[sflag:s23] =	ssyncadd.s32 $0xFFFFE000  }
0x6a: {  	[spmem:s2] =	stream.indirect.scatter.add.f32 [tilespmem:s19], [sflag:$0x8], $0x80, s1, s15, $0xb8;
	[tilespmem:$0x1DC00] =	vst v63  }
0x6b: {  	_ =	swait.ge @!p1 [sflag:s0], $0x2000  }
0x6c: {  	[sflag:s0] =	ssyncset.done @!p1 $0x0  }
0x6d: {  	[sflag:s0] =	ssyncadd.s32 @!p1 $0xFFFFE000;
	s0 =	simm.s32 @!p1 $0x6  }
0x6e: {  	_ =	swait.ge @!p1 [sflag:s0], $0x2000  }
0x6f: {  	[sflag:s0] =	ssyncset.done @!p1 $0x0  }
0x70: {  	[sflag:s0] =	ssyncadd.s32 @!p1 $0xFFFFE000;
	s0 =	simm.s32 @!p1 $0x7  }
0x71: {  	_ =	swait.ge @!p1 [sflag:s0], $0x2000  }
0x72: {  	[sflag:s0] =	ssyncset.done @!p1 $0x0  }
0x73: {  	[sflag:s0] =	ssyncadd.s32 @!p1 $0xFFFFE000;
	s0 =	simm.s32 @!p1 $0x8  }
0x74: {  	_ =	swait.ge @!p1 [sflag:s0], $0x2000  }
0x75: {  	[sflag:s0] =	ssyncset.done @!p1 $0x0  }
0x76: {  	[sflag:s0] =	ssyncadd.s32 @!p1 $0xFFFFE000;
	s0 =	sshra.s32 s30, $0x2  }
0x77: {  	[tilespmem:s16], [sflag:$0x1] =	stream.indirect.gather [hbm4b:s4+s15], $0x80, s0, s15, $0xb8;
	[tilespmem:$0x1DC00] =	vst v63  }
0x78: {  	s30 =	sadd.s32 $0x80, s0  }
0x79: {  	[tilespmem:s17], [sflag:$0x2] =	stream.indirect.gather [hbm4b:s4+s15], $0x80, s30, s15, $0xb8;
	[tilespmem:$0x1DC00] =	vst v63  }
0x7a: {  	s31 =	sadd.s32 $0x100, s0  }
0x7b: {  	[tilespmem:s18], [sflag:$0x3] =	stream.indirect.gather [hbm4b:s4+s15], $0x80, s31, s15, $0xb8;
	[tilespmem:$0x1DC00] =	vst v63  }
0x7c: {  	s7 =	sadd.s32 $0x180, s0  }
0x7d: {  	[tilespmem:s19], [sflag:$0x4] =	stream.indirect.gather [hbm4b:s4+s15], $0x80, s7, s15, $0xb8;
	[tilespmem:$0x1DC00] =	vst v63  }
0x7e: {  	_ =	swait.ge [sflag:s20], $0x2000  }
0x7f: {  	[sflag:s20] =	ssyncset.done $0x0  }
0x80: {  	s10 =	sadd.s32 $0x1000, s0;
	[sflag:s20] =	ssyncadd.s32 $0xFFFFE000  }
0x81: {  	[spmem:s2] =	stream.indirect.scatter.add.f32 [tilespmem:s16], [sflag:$0x5], $0x80, s10, s15, $0xb8;
	[tilespmem:$0x1DC00] =	vst v63  }
0x82: {  	_ =	swait.ge [sflag:s21], $0x2000  }
0x83: {  	[sflag:s21] =	ssyncset.done $0x0  }
0x84: {  	s30 =	sadd.s32 $0x1080, s0;
	[sflag:s21] =	ssyncadd.s32 $0xFFFFE000  }
0x85: {  	[spmem:s2] =	stream.indirect.scatter.add.f32 [tilespmem:s17], [sflag:$0x6], $0x80, s30, s15, $0xb8;
	[tilespmem:$0x1DC00] =	vst v63  }
0x86: {  	_ =	swait.ge [sflag:s22], $0x2000  }
0x87: {  	s29 =	sadd.s32 $0x1, s29;
	[sflag:s22] =	ssyncset.done $0x0  }
0x88: {  	p0 =	sne.s32 s29, $0x5;
	s31 =	sadd.s32 $0x1100, s0;
	[sflag:s22] =	ssyncadd.s32 $0xFFFFE000  }
0x89: {  	[spmem:s2] =	stream.indirect.scatter.add.f32 [tilespmem:s18], [sflag:$0x7], $0x80, s31, s15, $0xb8;
	[tilespmem:$0x1DC00] =	vst v63  }
.Ltmp1:
0x8a: {  	_ = 	snop;
	(pc) =	sbr.rel @p0 .LBB2_2-.Ltmp1, $4  }
0x8b: {  	_ =	swait.ge [sflag:s23], $0x2000  }
0x8c: {  	[sflag:s23] =	ssyncset.done $0x0  }
0x8d: {  	s0 =	sadd.s32 $0x1180, s0;
	[sflag:s23] =	ssyncadd.s32 $0xFFFFE000  }
0x8e: {  	[spmem:s2] =	stream.indirect.scatter.add.f32 [tilespmem:s19], [sflag:$0x8], $0x80, s0, s15, $0xb8;
	[tilespmem:$0x1DC00] =	vst v63  }
0x8f: {  	_ =	swait.ge [sflag:s24], $0x2000  }
0x90: {  	[sflag:s24] =	ssyncset.done $0x0  }
0x91: {  	[sflag:s24] =	ssyncadd.s32 $0xFFFFE000  }
0x92: {  	_ =	swait.ge [sflag:s25], $0x2000  }
0x93: {  	[sflag:s25] =	ssyncset.done $0x0  }
0x94: {  	[sflag:s25] =	ssyncadd.s32 $0xFFFFE000  }
0x95: {  	_ =	swait.ge [sflag:s26], $0x2000  }
0x96: {  	[sflag:s26] =	ssyncset.done $0x0  }
0x97: {  	[sflag:s26] =	ssyncadd.s32 $0xFFFFE000  }
0x98: {  	_ =	swait.ge [sflag:s28], $0x2000  }
0x99: {  	[sflag:s28] =	ssyncset.done $0x0  }
0x9a: {  	s3 =	sadd.s32 $0x1, s3;
	[sflag:s28] =	ssyncadd.s32 $0xFFFFE000  }
0x9b: {  	p0 =	sne.s32 s3, s11;
	[bflag:$0x0] =	sbarrier.arrive $0xFFFF  }
.Ltmp2:
0x9c: {  	s0 =	rddreg [dreg:$0x4];
	(pc) =	sbr.rel @p0 .LBB2_1-.Ltmp2, $4  }
0x9d: {  	[hbm:s0], [sflag:s8] =	dma.local [spmem:s12], $0x2780  }
0x9e: {  	_ =	swait.ge [sflag:s13], $0x2780  }
0x9f: {  	[sflag:s13] =	ssyncset.done $0x0  }
0xa0: {  	[sflag:s13] =	ssyncadd.s32 $0xFFFFD880  }
0xa1: {  	_ =	sfence.sel $0x180000  }
0xa2: {  	[bflag:$0x0] =	sbarrier.arrive $0xFFFF  }
0xa3: {  	_ =	strace $0x9000004D  }
0xa4: {  	s0 =	stileid.u32;
	[bflag:$0x2] =	sbarrier.arrive $0xFFFF  }
0xa5: {  	p0 =	sne.s32 s0, $0x0;
	s0 =	rddreg [dreg:$0x2]  }
0xa6: {  	s0 =	sadd.s32 @!p0 $0x100000, s0  }
0xa7: {  	[sflag:s0] =	ssyncadd.tile.s32 @!p0 $0x1;
	_ =	shalt  }
.Lfunc_end2:
_tile_overlayer_lowered:
.L_overlay_start_2:
0xa8: {  	(tag) =	ssettag $0x2  }
0xa9: {  	s0 =	rddreg [dreg:$0x0];
	s2 =	stileid.u32  }
0xaa: {  	s1 =	rddreg [dreg:$0x1];
	p0 =	sne.s32 s2, $0x0  }
0xab: {  	s3 =	rddreg [dreg:$0x2];
	[bflag:$0x3] =	sbarrier.arrive $0xFFFF;
	s2 =	simm.s32 @!p0 $0x1C09  }
0xac: {  	[timem:s3], [sflag:s2] =	dma.local @!p0 [hbm:s0], s1  }
0xad: {  	s0 =	simm.s32 @!p0 $0x9  }
0xae: {  	_ =	swait.ge @!p0 [sflag:s0], s1  }
0xaf: {  	s1 =	ssub.s32 @!p0 $0x0, s1;
	[sflag:s0] =	ssyncset.done @!p0 $0x0  }
0xb0: {  	[sflag:s0] =	ssyncadd.s32 @!p0 s1  }
0xb1: {  	[bflag:$0x3] =	sbarrier.arrive $0xFFFF  }
0xb2: {  	_ =	shalt  }

// kernel: kernel.8.cloned.1.call-start
scs
__scs_entry_jumppad:
0x0: {  	(pc) =	sbr.rel $0x88, $3  }
0x1: {  	(tag) =	ssettag $0x0;
	lr =	simm.s32 $0x1  }
0x2: {  	[smem:$0x3F9B] =	sst lr;
	_ =	strace $0xD0000000  }
0x3: {  	_ = 	snop  }
0x4: {  	_ = 	snop  }
0x5: {  	_ = 	snop  }
0x6: {  	_ = 	snop  }
0x7: {  	_ = 	snop  }
__scs_overlays_trampoline_lowered:
0x8: {  	[smem:$0x3FAA] =	sst s0  }
0x9: {  	[smem:$0x3FAB] =	sst s1  }
0xa: {  	[smem:$0x3FAC] =	sst s2  }
0xb: {  	[smem:$0x3FAD] =	sst s3  }
0xc: {  	[smem:$0x3FAE] =	sst s4  }
0xd: {  	[smem:$0x3FAF] =	sst s5  }
0xe: {  	[smem:$0x3FB0] =	sst s6  }
0xf: {  	[smem:$0x3FB1] =	sst s7  }
0x10: {  	[smem:$0x3FB2] =	sst s8  }
0x11: {  	[smem:$0x3FB3] =	sst s9;
	s0 =	simm.s32 @!p0 $0x0  }
0x12: {  	s1 =	sld [smem:$0x3F99];
	s0 =	simm.s32 @p0 $0x1  }
0x13: {  	[smem:$0x3FB4] =	sst s0;
	s0 =	simm.s32 @!p1 $0x0  }
0x14: {  	s2 =	sld [smem:$0x3F98];
	s0 =	simm.s32 @p1 $0x1  }
0x15: {  	[smem:$0x3FB5] =	sst s0;
	s0 =	simm.s32 @!p2 $0x0  }
0x16: {  	s3 =	sld [smem:$0x3FDB];
	s0 =	simm.s32 @p2 $0x1  }
0x17: {  	s4 =	simm.s32 $0x1BF5;
	[smem:$0x3FB7] =	sst s0  }
0x18: {  	s0 =	sld [smem:$0x3F9A];
	_ =	swait.ge [sflag:s4], $0x0  }
0x19: {  	s7 =	sld [smem:$0x3F9B]  }
0x1a: {  	s8 =	sadd.s32 $0xFFFFE003, lr  }
0x1b: {  	s9 =	sadd.s32 $0xFFFFFEF7, lr;
	s5 =	simm.s32 $0xFFFFFFFF;
	p2 =	slt.u32 s8, $0xFFFFF086  }
0x1c: {  	p1 =	slt.u32 s9, $0xF7A;
	s5 =	simm.s32 @!p2 $0x0  }
0x1d: {  	s5 =	simm.s32 @p1 $0x1;
	p0 =	seq.s32 s7, s2  }
0x1e: {  	s7 =	smul.u32 @!p0 $0xF7A, s2;
	p2 =	seq.s32 @!p0 s5, $0x0  }
0x1f: {  	s9 =	smul.u32 $0xF7A, s1;
	s8 =	simm.s32 @!p0 $0x1BF5;
	p2 =	por !p2, p0  }
0x20: {  	[sflag:s8] =	ssyncset.s32 @!p0 $0xFFFFF086;
	s6 =	sadd.s32 @!p0 s3, s7;
	s7 =	simm.s32 @!p0 $0x108  }
0x21: {  	s3 =	sadd.s32 s3, s9;
	s6 =	sadd.s32 @!p0 $0x88, s6;
	s7 =	simm.s32 @p2 $0x1082  }
0x22: {  	[simem:s7], [sflag:s8] =	dma.local @!p0 [hbm:s6], $0xF7A  }
0x23: {  	s9 =	sor.u32 $0xD0000000, s2;
	s6 =	simm.s32 $0x108;
	_ =	swait.ge @!p0 [sflag:s8], $0x0  }
0x24: {  	s3 =	sadd.s32 $0x88, s3;
	s6 =	simm.s32 @!p1 $0x1082;
	[sflag:s4] =	ssyncset.s32 $0xFFFFF086  }
0x25: {  	[simem:s6], [sflag:s4] =	dma.local [hbm:s3], $0xF7A  }
0x26: {  	[smem:$0x3F9B] =	sst s1;
	(tag) =	ssettag s2;
	_ =	strace s9  }
0x27: {  	s1 =	sld [smem:$0x3FAB]  }
0x28: {  	s2 =	sld [smem:$0x3FAC]  }
0x29: {  	s4 =	sld [smem:$0x3FAE]  }
0x2a: {  	p0 =	seq.s32 s5, $0x0;
	s5 =	sld [smem:$0x3FAF]  }
0x2b: {  	s6 =	sld [smem:$0x3FB0]  }
0x2c: {  	s7 =	sld [smem:$0x3FB1]  }
0x2d: {  	s3 =	simm.s32 $0x108;
	s8 =	sld [smem:$0x3FB2]  }
0x2e: {  	s3 =	simm.s32 @!p0 $0x1082;
	s9 =	sld [smem:$0x3FB3]  }
0x2f: {  	lr =	sadd.s32 s0, s3;
	s0 =	sld [smem:$0x3FAA]  }
0x30: {  	s3 =	sld [smem:$0x3FAD]  }
0x31: {  	[smem:$0x3FB6] =	sst s10  }
0x32: {  	s10 =	sld [smem:$0x3FB4];
	_ =	sdelay $0x3  }
0x33: {  	p0 =	seq.s32 s10, $0x1;
	s10 =	sld [smem:$0x3FB6];
	_ =	sdelay $0x3  }
0x34: {  	[smem:$0x3FB6] =	sst s10  }
0x35: {  	s10 =	sld [smem:$0x3FB5];
	_ =	sdelay $0x3  }
0x36: {  	p1 =	seq.s32 s10, $0x1;
	s10 =	sld [smem:$0x3FB6];
	_ =	sdelay $0x3  }
0x37: {  	[smem:$0x3FB6] =	sst s10  }
0x38: {  	s10 =	sld [smem:$0x3FB7]  }
0x39: {  	_ = 	snop;
	(pc) =	sbr.ind lr, $3  }
0x3a: {  	_ = 	snop  }
0x3b: {  	_ = 	snop  }
0x3c: {  	p2 =	seq.s32 s10, $0x1;
	s10 =	sld [smem:$0x3FB6]  }
0x3d: {  	_ =	shalt  }
0x3e: {  	_ =	shalt  }
0x3f: {  	_ =	shalt  }
0x40: {  	_ =	shalt  }
0x41: {  	_ =	shalt  }
0x42: {  	_ =	shalt  }
0x43: {  	_ =	shalt  }
0x44: {  	_ =	shalt  }
0x45: {  	_ =	shalt  }
0x46: {  	_ =	shalt  }
0x47: {  	_ =	shalt  }
0x48: {  	_ =	shalt  }
0x49: {  	_ =	shalt  }
0x4a: {  	_ =	shalt  }
0x4b: {  	_ =	shalt  }
0x4c: {  	_ =	shalt  }
0x4d: {  	_ =	shalt  }
0x4e: {  	_ =	shalt  }
0x4f: {  	_ =	shalt  }
0x50: {  	_ =	shalt  }
0x51: {  	_ =	shalt  }
0x52: {  	_ =	shalt  }
0x53: {  	_ =	shalt  }
0x54: {  	_ =	shalt  }
0x55: {  	_ =	shalt  }
0x56: {  	_ =	shalt  }
0x57: {  	_ =	shalt  }
0x58: {  	_ =	shalt  }
0x59: {  	_ =	shalt  }
0x5a: {  	_ =	shalt  }
0x5b: {  	_ =	shalt  }
0x5c: {  	_ =	shalt  }
0x5d: {  	_ =	shalt  }
0x5e: {  	_ =	shalt  }
0x5f: {  	_ =	shalt  }
0x60: {  	_ =	shalt  }
0x61: {  	_ =	shalt  }
0x62: {  	_ =	shalt  }
0x63: {  	_ =	shalt  }
0x64: {  	_ =	shalt  }
0x65: {  	_ =	shalt  }
0x66: {  	_ =	shalt  }
0x67: {  	_ =	shalt  }
0x68: {  	_ =	shalt  }
0x69: {  	_ =	shalt  }
0x6a: {  	_ =	shalt  }
0x6b: {  	_ =	shalt  }
0x6c: {  	_ =	shalt  }
0x6d: {  	_ =	shalt  }
0x6e: {  	_ =	shalt  }
0x6f: {  	_ =	shalt  }
0x70: {  	_ =	shalt  }
0x71: {  	_ =	shalt  }
0x72: {  	_ =	shalt  }
0x73: {  	_ =	shalt  }
0x74: {  	_ =	shalt  }
0x75: {  	_ =	shalt  }
0x76: {  	_ =	shalt  }
0x77: {  	_ =	shalt  }
0x78: {  	_ =	shalt  }
0x79: {  	_ =	shalt  }
0x7a: {  	_ =	shalt  }
0x7b: {  	_ =	shalt  }
0x7c: {  	_ =	shalt  }
0x7d: {  	_ =	shalt  }
0x7e: {  	_ =	shalt  }
0x7f: {  	_ =	shalt  }
0x80: {  	_ =	shalt  }
0x81: {  	_ =	shalt  }
0x82: {  	_ =	shalt  }
0x83: {  	_ =	shalt  }
0x84: {  	_ =	shalt  }
0x85: {  	_ =	shalt  }
0x86: {  	_ =	shalt  }
0x87: {  	_ =	shalt  }
.Lfunc_end0:
.L_simem_size_0:
called_computation_lowered:
.L_overlay_start_0:
0x88: {  	s2 =	sld [smem:$0x3FD9]  }
0x89: {  	s3 =	sld [smem:$0x3FFE];
	_ =	sdelay $0x1  }
0x8a: {  	s1 =	srdreg.scid  }
0x8b: {  	s0 =	sand.u32 $0x1, s1  }
0x8c: {  	s17 =	sshll.u32 s0, $0xA;
	s2 =	sadd.s32 s3, s2  }
0x8d: {  	s2 =	sadd.s32 s2, s17  }
0x8e: {  	[smem:$0x3FC2] =	sst s2  }
0x8f: {  	_ = 	snop  }
0x90: {  	s2 =	sld [smem:$0x3FD0];
	(tm) =	ssettm $0x1  }
0x91: {  	s18 =	sld [smem:$0x3FFB];
	_ =	sdelay $0x3  }
0x92: {  	_ =	strace s18  }
0x93: {  	s3 =	sld [smem:$0x3FFC];
	_ =	sdelay $0x3  }
0x94: {  	_ =	strace s3  }
0x95: {  	s3 =	sld [smem:$0x3FFD];
	_ =	sdelay $0x3  }
0x96: {  	_ =	strace s3  }
0x97: {  	_ =	strace $0x8FFFFFFF  }
0x98: {  	s19 =	sld [smem:$0x3FDB];
	_ =	sdelay $0x1  }
0x99: {  	s4 =	simm.s32 $_scs_section_size  }
0x9a: {  	s5 =	simm.s32 $_size__tile_overlayer_lowered;
	s6 =	simm.s32 $_tile_overlayer_lowered  }
0x9b: {  	s22 =	simm.s32 $0x1BFF;
	s21 =	sshll.u32 s6, $0x1;
	s3 =	sadd.s32 s4, s19  }
0x9c: {  	s7 =	simm.s32 $0x0;
	s20 =	sshll.u32 s5, $0x1;
	s5 =	sadd.s32 s21, s3  }
0x9d: {  	[timem:s7], [sflag:s22] =	dma.local [hbm:s5], s20  }
0x9e: {  	_ =	swait.ge [sflag:s22], s20  }
0x9f: {  	s4 =	ssub.s32 $0x0, s20;
	[sflag:s22] =	ssyncset.done $0x0  }
0xa0: {  	[sflag:s22] =	ssyncadd.s32 s4;
	_ =	sdelay $0x1  }
0xa1: {  	s23 =	simm.s32 $0x1B8B  }
0xa2: {  	_ =	swait.ge [sflag:s23], $0x1  }
0xa3: {  	[sflag:s23] =	ssyncset.done $0x0  }
0xa4: {  	s25 =	simm.s32 $0x1B8E;
	s24 =	sld [smem:$0x3FFE];
	[sflag:s23] =	ssyncadd.s32 $0xFFFFFFFF  }
0xa5: {  	s26 =	simm.s32 $execute0_lowered;
	[smem:$0x3FD2] =	sst s25  }
0xa6: {  	s5 =	sshll.u32 s26, $0x1;
	_ =	strace $0x80000046;
	[dreg:$0x1] =	wrdreg $0xFFFFFFFF  }
0xa7: {  	s28 =	simm.s32 $_size_execute0_lowered;
	s3 =	sadd.s32 s3, s5;
	[dreg:$0x0] =	wrdreg $0x0  }
0xa8: {  	s5 =	sshll.u32 s28, $0x1;
	[dreg:$0x2] =	wrdreg s3  }
0xa9: {  	[dreg:$0x3] =	wrdreg s5  }
0xaa: {  	[dreg:$0x4] =	wrdreg $0xC0  }
0xab: {  	_ =	task [dreg:s7], $0x5FFFF  }
0xac: {  	[dreg:$0x1] =	wrdreg $0xFFFFFFFF  }
0xad: {  	[dreg:$0x0] =	wrdreg $0x60  }
0xae: {  	[dreg:$0x2] =	wrdreg s2  }
0xaf: {  	[dreg:$0x3] =	wrdreg s24  }
0xb0: {  	[dreg:$0x4] =	wrdreg $0x68000  }
0xb1: {  	[dreg:$0x5] =	wrdreg $0x9  }
0xb2: {  	_ =	task.clear_ibuf [dreg:s7], $0x6FFFF;
	_ =	strace $0x90000046  }
0xb3: {  	s29 =	simm.s32 $0x9;
	_ =	strace $0x80000048  }
0xb4: {  	_ =	swait.ge [sflag:s29], $0x1  }
0xb5: {  	[sflag:s29] =	ssyncadd.s32 $0xFFFFFFFF  }
0xb6: {  	_ =	strace $0x90000048  }
0xb7: {  	_ =	sfence  }
0xb8: {  	s30 =	sld [smem:$0x0];
	_ =	sdelay $0x2  }
0xb9: {  	s31 =	sshll.u32 s1, $0xD;
	s1 =	sshrl.u32 s1, $0x2  }
0xba: {  	s3 =	sand.u32 $0x4000, s31;
	s1 =	sadd.s32 s1, s30  }
0xbb: {  	s0 =	sor.u32 s3, s0;
	s1 =	sshll.u32 s1, $0x11  }
0xbc: {  	s0 =	sor.u32 s1, s0  }
0xbd: {  	s0 =	sadd.s32 $0x8F2B, s0  }
0xbe: {  	[sflag:s0] =	ssyncadd.remote.s32 $0x1  }
0xbf: {  	_ =	sfence.sel $0xFFFF  }
0xc0: {  	[dreg:$0x0] =	wrdreg $0xFFFFFFFF;
	(pc) =	sbr.abs _section_cstart, $3  }
0xc1: {  	[dreg:$0x1] =	wrdreg $0xFFFFFFFF  }
0xc2: {  	_ =	task.clear_ibuf [dreg:s7], $0x2FFFF;
	_ =	strace $0x9FFFFFFF  }
0xc3: {  	(tm) =	ssettm $0x7FFFFFFF  }
tec
execute0_lowered:
.L_overlay_start_1:
0x0: {  	(tag) =	ssettag $0x1  }
0x1: {  	s5 =	rddreg [dreg:$0x0]  }
0x2: {  	s4 =	rddreg [dreg:$0x1]  }
0x3: {  	s1 =	rddreg [dreg:$0x2];
	s2 =	srdreg.scid  }
0x4: {  	s0 =	rddreg [dreg:$0x3];
	s6 =	sand.u32 $0x1, s2  }
0x5: {  	s3 =	simm.s32 $0x0;
	s2 =	stileid.u32;
	s7 =	smul.u32 $0x27800, s6  }
0x6: {  	[smem:$0x7FF] =	sst s3;
	s8 =	smul.u32 $0x2780, s2  }
0x7: {  	_ =	strace $0x80000047;
	s9 =	sshll.u32 s6, $0x4;
	s10 =	smul.u32 $0x4F000, s2  }
0x8: {  	s6 =	ssub.s32 $0x2, s6;
	s11 =	sshll.u32 s2, $0x6;
	s30 =	sor.u32 s2, s9  }
0x9: {  	s31 =	sshrl.u32 s6, $0x1;
	s11 =	sor.u32 $0x1C01, s11;
	s7 =	sadd.s32 s8, s7  }
0xa: {  	s10 =	sshrl.u32 s10, $0x2;
	s8 =	smul.u32 $0x500, s30;
	s9 =	ssub.s32 s6, s31  }
0xb: {  	s7 =	sadd.s32 s7, s4;
	s4 =	sadd.s32 s10, s1;
	s10 =	simm.s32 $0x80  }
0xc: {  	s5 =	sadd.s32 s5, s8;
	s6 =	sadd.s32 $0x3000, s7;
	s7 =	smax.u32 s9, $0x1  }
0xd: {  	v0 =	vimm.f32 $1.000000000e+00;
	s8 =	simm.s32 $0x2800;
	s9 =	simm.s32 $0x1;
	s12 =	sshrl.u32 s4, $0x3  }
.LBB2_1:
0xe: {  	s13 =	simm.s32 $0x0  }
.LBB2_2:
0xf: {  	p0 =	sne.s32 s13, $0xFE00  }
.Ltmp0:
0x10: {  	_ = 	snop;
	(pc) =	sbr.rel @p0 .LBB2_2-.Ltmp0, $3  }
0x11: {  	_ =	sdelay $0x1  }
0x12: {  	s14 =	sshra.s32 s13, $0x2  }
0x13: {  	s13 =	sadd.s32 $0x200, s13;
	[tilespmem:s14+$0x2800] =	vst v0  }
0x14: {  	s13 =	sadd.s32 $0x0, s4  }
0x15: {  	[spmem:s13] =	stream.linear.scatter [tilespmem:s8], [sflag:$0x1], $0x400, $0x38;
	[tilespmem:$0x8F80] =	vst v63  }
0x16: {  	s13 =	simm.s32 $0x1000;
	_ =	swait.ge [sflag:s9], $0x400  }
.LBB2_4:
0x17: {  	s14 =	sshra.s32 s13, $0x2;
	[sflag:s9] =	ssyncset.done $0x0;
	p0 =	sne.s32 s13, $0x4E000  }
.Ltmp1:
0x18: {  	s14 =	sadd.s32 s14, s4;
	[sflag:s9] =	ssyncadd.s32 $0xFFFFFC00;
	(pc) =	sbr.rel @p0 .LBB2_4-.Ltmp1, $3  }
0x19: {  	[spmem:s14] =	stream.linear.scatter [tilespmem:s8], [sflag:$0x1], $0x400, $0x38;
	[tilespmem:$0x8F80] =	vst v63  }
0x1a: {  	s13 =	sadd.s32 $0x1000, s13;
	_ =	sdelay $0x1  }
0x1b: {  	_ =	swait.ge [sflag:s9], $0x400  }
0x1c: {  	[sflag:s9] =	ssyncset.done $0x0  }
0x1d: {  	s13 =	simm.s32 $0x0;
	[sflag:s9] =	ssyncadd.s32 $0xFFFFFC00  }
0x1e: {  	[tilespmem:s13], [sflag:$0x1] =	stream.linear.gather [hbm4b:s5+s13], $0x2800, $0x38;
	[tilespmem:$0x8F80] =	vst v63  }
0x1f: {  	_ =	swait.ge [sflag:s9], $0x2800  }
0x20: {  	[sflag:s9] =	ssyncset.done $0x0  }
0x21: {  	[sflag:s9] =	ssyncadd.s32 $0xFFFFD800  }
0x22: {  	s31 =	simm.s32 $0x0;
	[bflag:$0x0] =	sbarrier.arrive $0xFFFF  }
0x23: {  	[spmem:s1] =	stream.indirect.scatter.add.f32 [tilespmem:s8], [sflag:$0x1], $0x10, s31, s10, $0xb8;
	[tilespmem:$0x8F80] =	vst v63  }
0x24: {  	_ =	swait.ge [sflag:s9], $0x800  }
0x25: {  	s13 =	simm.s32 $0x200;
	[sflag:s9] =	ssyncset.done $0x0  }
.LBB2_6:
0x26: {  	s14 =	sshra.s32 s13, $0x2;
	[sflag:s9] =	ssyncadd.s32 $0xFFFFF800;
	p0 =	sne.s32 s13, $0x9E00  }
0x27: {  	[spmem:s1] =	stream.indirect.scatter.add.f32 [tilespmem:s8], [sflag:$0x1], $0x10, s14, s10, $0xb8;
	[tilespmem:$0x8F80] =	vst v63  }
.Ltmp2:
0x28: {  	_ = 	snop;
	(pc) =	sbr.rel @p0 .LBB2_6-.Ltmp2, $4  }
0x29: {  	_ = 	snop  }
0x2a: {  	s13 =	sadd.s32 $0x200, s13  }
0x2b: {  	_ =	swait.ge [sflag:s9], $0x800  }
0x2c: {  	[sflag:s9] =	ssyncset.done $0x0  }
0x2d: {  	s3 =	sadd.s32 $0x1, s3  }
0x2e: {  	[sflag:s9] =	ssyncadd.s32 $0xFFFFF800;
	p0 =	sne.s32 s3, s7  }
.Ltmp3:
0x2f: {  	[bflag:$0x0] =	sbarrier.arrive $0xFFFF;
	(pc) =	sbr.rel @p0 .LBB2_1-.Ltmp3, $4  }
0x30: {  	[hbm:s6], [sflag:s11] =	dma.local [spmem:s12], $0x2780  }
0x31: {  	_ =	swait.ge [sflag:s9], $0x2780  }
0x32: {  	[sflag:s9] =	ssyncset.done $0x0  }
0x33: {  	[sflag:s9] =	ssyncadd.s32 $0xFFFFD880  }
0x34: {  	_ =	sfence.sel $0x180000  }
0x35: {  	[bflag:$0x0] =	sbarrier.arrive $0xFFFF  }
0x36: {  	p0 =	sne.s32 s2, $0x0;
	_ =	strace $0x90000047  }
0x37: {  	s0 =	sadd.s32 @!p0 $0x100000, s0;
	[bflag:$0x2] =	sbarrier.arrive $0xFFFF  }
0x38: {  	[sflag:s0] =	ssyncadd.tile.s32 @!p0 $0x1;
	_ =	shalt  }
.Lfunc_end2:
_tile_overlayer_lowered:
.L_overlay_start_2:
0x39: {  	(tag) =	ssettag $0x2  }
0x3a: {  	s0 =	rddreg [dreg:$0x0];
	s2 =	stileid.u32  }
0x3b: {  	s1 =	rddreg [dreg:$0x1];
	p0 =	sne.s32 s2, $0x0  }
0x3c: {  	s3 =	rddreg [dreg:$0x2];
	[bflag:$0x3] =	sbarrier.arrive $0xFFFF;
	s2 =	simm.s32 @!p0 $0x1C01  }
0x3d: {  	[timem:s3], [sflag:s2] =	dma.local @!p0 [hbm:s0], s1  }
0x3e: {  	s0 =	simm.s32 @!p0 $0x1  }
0x3f: {  	_ =	swait.ge @!p0 [sflag:s0], s1  }
0x40: {  	s1 =	ssub.s32 @!p0 $0x0, s1;
	[sflag:s0] =	ssyncset.done @!p0 $0x0  }
0x41: {  	[sflag:s0] =	ssyncadd.s32 @!p0 s1  }
0x42: {  	[bflag:$0x3] =	sbarrier.arrive $0xFFFF  }
0x43: {  	_ =	shalt  }

</sc_bundles>
